<compile_context>
chip_gen: v7x
topology: tpu7x:2x2x1
jax: 0.10.2.dev20260603
libtpu: 0.0.44.dev20260713+nightly
codegen_flags: <defaults>
</compile_context>

<pallas_src>
import jax
import jax.numpy as jnp
from jax import lax
from jax.experimental import pallas as pl
from jax.experimental.pallas import tpu as pltpu
from jax.experimental.pallas import tpu_sc as plsc

EMBED = 32
TBL = 1280
NCOORD = 4
LANES = 16
NCORES = 2
NSUBCORES = 16
NWORKERS = NCORES * NSUBCORES

CHUNK = 256
SUB = 128
NSUB = CHUNK // SUB
GRP = CHUNK // LANES
NBUF = 3


def _body(boxes_hbm, table_hbm, out_hbm, box_v, *scr):
    t_dim, n_btile, _, _ = boxes_hbm.shape
    bat_per_w = (n_btile * 128) // NWORKERS
    per_w = bat_per_w * t_dim * NCOORD
    nchunk = per_w // CHUNK
    idxv = scr[0:NBUF]
    rowv = scr[NBUF:2 * NBUF]
    table_sh = scr[2 * NBUF]
    gsem = scr[2 * NBUF + 1:3 * NBUF + 1]
    osem = scr[3 * NBUF + 1:4 * NBUF + 1]

    wid = lax.axis_index("s") * NCORES + lax.axis_index("c")
    base_w = wid * per_w
    btile = wid // (128 // bat_per_w)
    lane0 = (wid % (128 // bat_per_w)) * bat_per_w

    iota = lax.iota(jnp.int32, LANES)
    c_idx = iota % NCOORD
    tq_idx = iota // NCOORD
    offs = c_idx * TBL

    sid = lax.axis_index("s")
    tbl_rows = NCOORD * TBL // NSUBCORES
    pltpu.sync_copy(table_hbm.at[pl.ds(sid * tbl_rows, tbl_rows)],
                    table_sh.at[pl.ds(sid * tbl_rows, tbl_rows)])
    pltpu.sync_copy(boxes_hbm.at[:, btile, :, pl.ds(lane0, 32)], box_v)
    plsc.subcore_barrier()

    def compute_idx(g, b):
        gi0 = g * GRP

        def cvt(si, _):
            gi = gi0 + si
            bt = gi * NCOORD
            b_loc = bt // t_dim
            t0 = bt % t_dim
            v = plsc.load_gather(
                box_v, (t0 + tq_idx, c_idx, jnp.full((LANES,), b_loc, jnp.int32)))
            v = jnp.minimum(jnp.maximum(v, 0.0), float(TBL - 1))
            idxv[b][pl.ds(si * LANES, LANES)] = v.astype(jnp.int32) + offs
            return 0

        lax.fori_loop(0, GRP, cvt, 0)

    def fire_gathers(b):
        for j in range(NSUB):
            sl = pl.ds(j * SUB, SUB)
            pltpu.async_copy(table_sh.at[idxv[b].at[sl]], rowv[b].at[sl], gsem[b])

    def wait_writeback(b):
        pltpu.make_async_copy(rowv[b], out_hbm.at[pl.ds(base_w, CHUNK)], osem[b]).wait()

    def drain_gathers(b):
        pltpu.make_async_copy(out_hbm.at[pl.ds(base_w, CHUNK)], rowv[b], gsem[b]).wait()

    def step(g, b, nb, prep, first_ring):
        if prep:
            compute_idx(g + 1, nb)
            if first_ring:
                @pl.when(g >= NBUF - 1)
                def _w():
                    wait_writeback(nb)
            else:
                wait_writeback(nb)
            fire_gathers(nb)
        drain_gathers(b)
        pltpu.async_copy(rowv[b], out_hbm.at[pl.ds(base_w + g * CHUNK, CHUNK)],
                         osem[b])

    compute_idx(0, 0)
    fire_gathers(0)

    def ring(p, _):
        for b in range(NBUF):
            g = p * NBUF + b
            step(g, b, (b + 1) % NBUF, True, True)
        return 0

    nring = (nchunk - 1) // NBUF
    lax.fori_loop(0, nring, ring, 0)
    for g in range(nring * NBUF, nchunk):
        step(g, g % NBUF, (g + 1) % NBUF, g + 1 < nchunk, False)
    for b in range(NBUF):
        wait_writeback(b)


@jax.jit
def _gather_call(boxes_phys, table):
    t_dim, n_btile, _, _ = boxes_phys.shape
    n = t_dim * n_btile * 128 * NCOORD
    mesh = plsc.VectorSubcoreMesh(core_axis_name="c", subcore_axis_name="s")
    return pl.kernel(
        _body,
        out_type=jax.ShapeDtypeStruct((n, EMBED), jnp.float32),
        mesh=mesh,
        scratch_types=(
            [pltpu.VMEM((t_dim, NCOORD, 32), jnp.float32)]
            + [pltpu.VMEM((CHUNK,), jnp.int32)] * NBUF
            + [pltpu.VMEM((CHUNK, EMBED), jnp.float32)] * NBUF
            + [pltpu.VMEM_SHARED((NCOORD * TBL, EMBED), jnp.float32)]
            + [pltpu.SemaphoreType.DMA] * (2 * NBUF)
        ),
        compiler_params=pltpu.CompilerParams(use_tc_tiling_on_sc=False,
                                             needs_layout_passes=False),
    )(boxes_phys, table)


def kernel(boxes, x_table, y_table, w_table, h_table):
    b, t, _ = boxes.shape
    table = jnp.concatenate([x_table, y_table, w_table, h_table], axis=0)
    boxes_phys = (boxes.transpose(1, 2, 0)
                  .reshape(t, NCOORD, b // 128, 128)
                  .transpose(0, 2, 1, 3))
    out = _gather_call(boxes_phys, table)
    return out.reshape(b, t, NCOORD * EMBED)

# --- scband reference (transcript-rebuilt; emitter-appended) ---
"""Pipeline reference for scband-box2-dprompt-encoder-learned-17454747091615 (READ-ONLY COPY).

The authoritative reference and input builder live on the scoring server;
editing this copy changes nothing except your own understanding.
"""

import jax, jax.numpy as jnp
import numpy as np

EMBED_DIM = 128
MAX_X = MAX_Y = MAX_W = MAX_H = 1280
DISC = 1

def setup_inputs(seed: int = 0) -> dict:
    key = jax.random.key(seed)
    k1, k2, k3, k4, k5 = jax.random.split(key, 5)
    # boxes: float coordinates in [0, 1279]; fill='rand' scaled to the valid coordinate range
    boxes = jax.random.uniform(k1, (1024, 200, 4), dtype=jnp.float32, minval=0.0, maxval=1279.0)
    d = EMBED_DIM // 4
    x_table = jax.random.normal(k2, (MAX_X * DISC, d), dtype=jnp.float32) * 0.02
    y_table = jax.random.normal(k3, (MAX_Y * DISC, d), dtype=jnp.float32) * 0.02
    w_table = jax.random.normal(k4, (MAX_W * DISC, d), dtype=jnp.float32) * 0.02
    h_table = jax.random.normal(k5, (MAX_H * DISC, d), dtype=jnp.float32) * 0.02
    return {"boxes": boxes, "x_table": x_table, "y_table": y_table, "w_table": w_table, "h_table": h_table}

def reference(boxes, x_table, y_table, w_table, h_table):
    min_bounds = jnp.array([0.0, 0.0, 0.0, 0.0], dtype=jnp.float32)
    max_bounds = jnp.array([MAX_X - 1, MAX_Y - 1, MAX_W - 1, MAX_H - 1], dtype=jnp.float32)
    indexes = (DISC * jnp.clip(boxes, min_bounds[None, None], max_bounds[None, None]).astype(jnp.int32))
    pos = jnp.concatenate(
        (
            jnp.take(x_table, indexes[..., 0], axis=0),
            jnp.take(y_table, indexes[..., 1], axis=0),
            jnp.take(w_table, indexes[..., 2], axis=0),
            jnp.take(h_table, indexes[..., 3], axis=0),
        ),
        axis=-1,
    )
    return pos

if __name__ == "__main__":
    import jax
    _d = setup_inputs()
    print(jax.jit(kernel)(*tuple(_d.values())))

</pallas_src>

<mosaic_0001>
#map = affine_map<(d0, d1) -> (0, 0, 0, 0)>
#map1 = affine_map<(d0, d1) -> (0, 0)>
module attributes {stable_mosaic.version = 14 : i64} {
  func.func @_body(%arg0: i32, %arg1: i32, %arg2: memref<200x8x4x128xf32, #tpu.memory_space<hbm>>, %arg3: memref<5120x32xf32, #tpu.memory_space<hbm>>, %arg4: memref<819200x32xf32, #tpu.memory_space<hbm>>, %arg5: memref<200x4x32xf32, #tpu.memory_space<vmem>>, %arg6: memref<256xi32, #tpu.memory_space<vmem>>, %arg7: memref<256xi32, #tpu.memory_space<vmem>>, %arg8: memref<256xi32, #tpu.memory_space<vmem>>, %arg9: memref<256x32xf32, #tpu.memory_space<vmem>>, %arg10: memref<256x32xf32, #tpu.memory_space<vmem>>, %arg11: memref<256x32xf32, #tpu.memory_space<vmem>>, %arg12: memref<5120x32xf32, #tpu.memory_space<vmem_shared>>, %arg13: memref<!tpu.dma_semaphore, #tpu.memory_space<semaphore_mem>>, %arg14: memref<!tpu.dma_semaphore, #tpu.memory_space<semaphore_mem>>, %arg15: memref<!tpu.dma_semaphore, #tpu.memory_space<semaphore_mem>>, %arg16: memref<!tpu.dma_semaphore, #tpu.memory_space<semaphore_mem>>, %arg17: memref<!tpu.dma_semaphore, #tpu.memory_space<semaphore_mem>>, %arg18: memref<!tpu.dma_semaphore, #tpu.memory_space<semaphore_mem>>) attributes {dimension_semantics = [#tpu.dimension_semantics<core_parallel>, #tpu.dimension_semantics<subcore_parallel>], iteration_bounds = array<i64: 2, 16>, scalar_prefetch = 0 : i64, scratch_operands = 14 : i64, tpu.core_type = #tpu.core_type<sc_vector_subcore>, window_params = [{transform_indices = #map}, {transform_indices = #map1}, {transform_indices = #map1}]} {
    %mul3A = arith.constant 2 : i32
    %mul3A_0 = arith.muli %arg1, %mul3A : i32
    %add3A = arith.addi %mul3A_0, %arg0 : i32
    %mul3A_1 = arith.constant 25600 : i32
    %mul3A_2 = arith.muli %add3A, %mul3A_1 : i32
    %jit3A = arith.constant 4 : i32
    %div3A = arith.divsi %add3A, %jit3A : i32
    %sign3A = arith.constant 0 : i32
    %sign3A_3 = arith.cmpi sgt, %add3A, %sign3A : i32
    %sign3A_4 = arith.extui %sign3A_3 : i1 to i32
    %sign3A_5 = arith.constant 0 : i32
    %sign3A_6 = arith.cmpi slt, %add3A, %sign3A_5 : i32
    %sign3A_7 = arith.extui %sign3A_6 : i1 to i32
    %sign3A_8 = arith.subi %sign3A_4, %sign3A_7 : i32
    %sign3A_9 = arith.constant 0 : i32
    %sign3A_10 = arith.cmpi sgt, %jit3A, %sign3A_9 : i32
    %sign3A_11 = arith.extui %sign3A_10 : i1 to i32
    %sign3A_12 = arith.constant 0 : i32
    %sign3A_13 = arith.cmpi slt, %jit3A, %sign3A_12 : i32
    %sign3A_14 = arith.extui %sign3A_13 : i1 to i32
    %sign3A_15 = arith.subi %sign3A_11, %sign3A_14 : i32
    %ne3A = arith.cmpi ne, %sign3A_8, %sign3A_15 : i32
    %rem3A = arith.remsi %add3A, %jit3A : i32
    %ne3A_16 = arith.constant 0 : i32
    %ne3A_17 = arith.cmpi ne, %rem3A, %ne3A_16 : i32
    %and3A = arith.andi %ne3A, %ne3A_17 : i1
    %sub3A = arith.constant 1 : i32
    %sub3A_18 = arith.subi %div3A, %sub3A : i32
    %select_n3A = arith.select %and3A, %sub3A_18, %div3A : i32
    %jit3A_19 = arith.constant 4 : i32
    %eq3A = arith.constant 0 : i32
    %eq3A_20 = arith.cmpi eq, %jit3A_19, %eq3A : i32
    %jit3A_21 = arith.constant 1 : i32
    %select_n3A_22 = arith.select %eq3A_20, %jit3A_21, %jit3A_19 : i32
    %rem3A_23 = arith.remsi %add3A, %select_n3A_22 : i32
    %ne3A_24 = arith.constant 0 : i32
    %ne3A_25 = arith.cmpi ne, %rem3A_23, %ne3A_24 : i32
    %lt3A = arith.constant 0 : i32
    %lt3A_26 = arith.cmpi slt, %rem3A_23, %lt3A : i32
    %lt3A_27 = arith.constant 0 : i32
    %lt3A_28 = arith.cmpi slt, %select_n3A_22, %lt3A_27 : i32
    %ne3A_29 = arith.xori %lt3A_26, %lt3A_28 : i1
    %and3A_30 = arith.andi %ne3A_29, %ne3A_25 : i1
    %add3A_31 = arith.addi %rem3A_23, %select_n3A_22 : i32
    %select_n3A_32 = arith.select %and3A_30, %add3A_31, %rem3A_23 : i32
    %mul3A_33 = arith.constant 32 : i32
    %mul3A_34 = arith.muli %select_n3A_32, %mul3A_33 : i32
    %iota3A = tpu.iota {dimensions = array<i32: 0>} : vector<16xi32>
    %jit3A_35 = arith.constant 4 : i32
    %eq3A_36 = arith.constant 0 : i32
    %eq3A_37 = arith.cmpi eq, %jit3A_35, %eq3A_36 : i32
    %jit3A_38 = arith.constant 1 : i32
    %select_n3A_39 = arith.select %eq3A_37, %jit3A_38, %jit3A_35 : i32
    %rem3A_40 = vector.broadcast %select_n3A_39 : i32 to vector<16xi32>
    %rem3A_41 = arith.remsi %iota3A, %rem3A_40 : vector<16xi32>
    %ne3A_42 = arith.constant 0 : i32
    %ne3A_43 = vector.broadcast %ne3A_42 : i32 to vector<16xi32>
    %ne3A_44 = arith.cmpi ne, %rem3A_41, %ne3A_43 : vector<16xi32>
    %lt3A_45 = arith.constant 0 : i32
    %lt3A_46 = vector.broadcast %lt3A_45 : i32 to vector<16xi32>
    %lt3A_47 = arith.cmpi slt, %rem3A_41, %lt3A_46 : vector<16xi32>
    %lt3A_48 = arith.constant 0 : i32
    %lt3A_49 = arith.cmpi slt, %select_n3A_39, %lt3A_48 : i32
    %ne3A_50 = vector.broadcast %lt3A_49 : i1 to vector<16xi1>
    %ne3A_51 = vector.broadcast %ne3A_50 : vector<16xi1> to vector<16xi1>
    %ne3A_52 = arith.xori %lt3A_47, %ne3A_51 : vector<16xi1>
    %and3A_53 = arith.andi %ne3A_52, %ne3A_44 : vector<16xi1>
    %add3A_54 = vector.broadcast %select_n3A_39 : i32 to vector<16xi32>
    %add3A_55 = arith.addi %rem3A_41, %add3A_54 : vector<16xi32>
    %select_n3A_56 = arith.select %and3A_53, %add3A_55, %rem3A_41 : vector<16xi1>, vector<16xi32>
    %jit3A_57 = arith.constant 4 : i32
    %div3A_58 = vector.broadcast %jit3A_57 : i32 to vector<16xi32>
    %div3A_59 = arith.divsi %iota3A, %div3A_58 : vector<16xi32>
    %sign3A_60 = arith.constant 0 : i32
    %sign3A_61 = vector.broadcast %sign3A_60 : i32 to vector<16xi32>
    %sign3A_62 = arith.cmpi sgt, %iota3A, %sign3A_61 : vector<16xi32>
    %sign3A_63 = arith.extui %sign3A_62 : vector<16xi1> to vector<16xi32>
    %sign3A_64 = arith.constant 0 : i32
    %sign3A_65 = vector.broadcast %sign3A_64 : i32 to vector<16xi32>
    %sign3A_66 = arith.cmpi slt, %iota3A, %sign3A_65 : vector<16xi32>
    %sign3A_67 = arith.extui %sign3A_66 : vector<16xi1> to vector<16xi32>
    %sign3A_68 = arith.subi %sign3A_63, %sign3A_67 : vector<16xi32>
    %sign3A_69 = arith.constant 0 : i32
    %sign3A_70 = arith.cmpi sgt, %jit3A_57, %sign3A_69 : i32
    %sign3A_71 = arith.extui %sign3A_70 : i1 to i32
    %sign3A_72 = arith.constant 0 : i32
    %sign3A_73 = arith.cmpi slt, %jit3A_57, %sign3A_72 : i32
    %sign3A_74 = arith.extui %sign3A_73 : i1 to i32
    %sign3A_75 = arith.subi %sign3A_71, %sign3A_74 : i32
    %ne3A_76 = vector.broadcast %sign3A_75 : i32 to vector<16xi32>
    %ne3A_77 = arith.cmpi ne, %sign3A_68, %ne3A_76 : vector<16xi32>
    %rem3A_78 = vector.broadcast %jit3A_57 : i32 to vector<16xi32>
    %rem3A_79 = arith.remsi %iota3A, %rem3A_78 : vector<16xi32>
    %ne3A_80 = arith.constant 0 : i32
    %ne3A_81 = vector.broadcast %ne3A_80 : i32 to vector<16xi32>
    %ne3A_82 = arith.cmpi ne, %rem3A_79, %ne3A_81 : vector<16xi32>
    %and3A_83 = arith.andi %ne3A_77, %ne3A_82 : vector<16xi1>
    %sub3A_84 = arith.constant 1 : i32
    %sub3A_85 = vector.broadcast %sub3A_84 : i32 to vector<16xi32>
    %sub3A_86 = arith.subi %div3A_59, %sub3A_85 : vector<16xi32>
    %select_n3A_87 = arith.select %and3A_83, %sub3A_86, %div3A_59 : vector<16xi1>, vector<16xi32>
    %mul3A_88 = arith.constant 1280 : i32
    %mul3A_89 = vector.broadcast %mul3A_88 : i32 to vector<16xi32>
    %mul3A_90 = arith.muli %select_n3A_56, %mul3A_89 : vector<16xi32>
    %mul3A_91 = arith.constant 320 : i32
    %mul3A_92 = arith.muli %arg1, %mul3A_91 : i32
    %mul3A_93 = arith.constant 320 : i32
    %mul3A_94 = arith.muli %arg1, %mul3A_93 : i32
    "tpu.region"() ({
      %run_scoped3A = tpu.sem_alloc : memref<!tpu.dma_semaphore, #tpu.memory_space<semaphore_mem>>
      %dma_start3A_144 = arith.constant 0 : i32
      %dma_start3A_145 = tpu.memref_slice %arg12[%mul3A_94, %dma_start3A_144] : memref<5120x32xf32, #tpu.memory_space<vmem_shared>> -> memref<320x32xf32, #tpu.memory_space<vmem_shared>>
      %dma_start3A_146 = arith.constant 0 : i32
      %dma_start3A_147 = tpu.memref_slice %arg3[%mul3A_92, %dma_start3A_146] : memref<5120x32xf32, #tpu.memory_space<hbm>> -> memref<320x32xf32, #tpu.memory_space<hbm>>
      tpu.enqueue_dma source(%dma_start3A_147 : memref<320x32xf32, #tpu.memory_space<hbm>>) target(%dma_start3A_145 : memref<320x32xf32, #tpu.memory_space<vmem_shared>>) target_semaphore(%run_scoped3A : memref<!tpu.dma_semaphore, #tpu.memory_space<semaphore_mem>>)
      %dma_wait3A_148 = arith.constant 0 : i32
      %dma_wait3A_149 = tpu.memref_slice %arg12[%mul3A_94, %dma_wait3A_148] : memref<5120x32xf32, #tpu.memory_space<vmem_shared>> -> memref<320x32xf32, #tpu.memory_space<vmem_shared>>
      %dma_wait3A_150 = arith.constant 0 : i32
      %dma_wait3A_151 = tpu.memref_slice %arg3[%mul3A_92, %dma_wait3A_150] : memref<5120x32xf32, #tpu.memory_space<hbm>> -> memref<320x32xf32, #tpu.memory_space<hbm>>
      tpu.wait_dma2 semaphore(%run_scoped3A : memref<!tpu.dma_semaphore, #tpu.memory_space<semaphore_mem>>) src(%dma_wait3A_151 : memref<320x32xf32, #tpu.memory_space<hbm>>) dst(%dma_wait3A_149 : memref<320x32xf32, #tpu.memory_space<vmem_shared>>)
      tpu.yield
    }) : () -> ()
    "tpu.region"() ({
      %run_scoped3A = tpu.sem_alloc : memref<!tpu.dma_semaphore, #tpu.memory_space<semaphore_mem>>
      %dma_start3A_144 = arith.constant 0 : i32
      %dma_start3A_145 = arith.constant 0 : i32
      %dma_start3A_146 = tpu.memref_slice %arg2[%dma_start3A_144, %select_n3A, %dma_start3A_145, %mul3A_34] : memref<200x8x4x128xf32, #tpu.memory_space<hbm>> -> memref<200x1x4x32xf32, #tpu.memory_space<hbm>>
      %dma_start3A_147 = tpu.memref_squeeze %dma_start3A_146 : memref<200x1x4x32xf32, #tpu.memory_space<hbm>> -> memref<200x4x32xf32, #tpu.memory_space<hbm>>
      %dma_start3A_148 = arith.constant 0 : i32
      %dma_start3A_149 = arith.constant 0 : i32
      %dma_start3A_150 = tpu.memref_slice %arg2[%dma_start3A_148, %select_n3A, %dma_start3A_149, %mul3A_34] : memref<200x8x4x128xf32, #tpu.memory_space<hbm>> -> memref<200x1x4x32xf32, #tpu.memory_space<hbm>>
      %dma_start3A_151 = tpu.memref_squeeze %dma_start3A_150 : memref<200x1x4x32xf32, #tpu.memory_space<hbm>> -> memref<200x4x32xf32, #tpu.memory_space<hbm>>
      tpu.enqueue_dma source(%dma_start3A_151 : memref<200x4x32xf32, #tpu.memory_space<hbm>>) target(%arg5 : memref<200x4x32xf32, #tpu.memory_space<vmem>>) target_semaphore(%run_scoped3A : memref<!tpu.dma_semaphore, #tpu.memory_space<semaphore_mem>>)
      %dma_wait3A_152 = arith.constant 0 : i32
      %dma_wait3A_153 = arith.constant 0 : i32
      %dma_wait3A_154 = tpu.memref_slice %arg2[%dma_wait3A_152, %select_n3A, %dma_wait3A_153, %mul3A_34] : memref<200x8x4x128xf32, #tpu.memory_space<hbm>> -> memref<200x1x4x32xf32, #tpu.memory_space<hbm>>
      %dma_wait3A_155 = tpu.memref_squeeze %dma_wait3A_154 : memref<200x1x4x32xf32, #tpu.memory_space<hbm>> -> memref<200x4x32xf32, #tpu.memory_space<hbm>>
      %dma_wait3A_156 = arith.constant 0 : i32
      %dma_wait3A_157 = arith.constant 0 : i32
      %dma_wait3A_158 = tpu.memref_slice %arg2[%dma_wait3A_156, %select_n3A, %dma_wait3A_157, %mul3A_34] : memref<200x8x4x128xf32, #tpu.memory_space<hbm>> -> memref<200x1x4x32xf32, #tpu.memory_space<hbm>>
      %dma_wait3A_159 = tpu.memref_squeeze %dma_wait3A_158 : memref<200x1x4x32xf32, #tpu.memory_space<hbm>> -> memref<200x4x32xf32, #tpu.memory_space<hbm>>
      tpu.wait_dma2 semaphore(%run_scoped3A : memref<!tpu.dma_semaphore, #tpu.memory_space<semaphore_mem>>) src(%dma_wait3A_159 : memref<200x4x32xf32, #tpu.memory_space<hbm>>) dst(%arg5 : memref<200x4x32xf32, #tpu.memory_space<vmem>>)
      tpu.yield
    }) : () -> ()
    %barrier3A = arith.constant 0 : index
    tpu.barrier barrier_id(%barrier3A)
    %scan3A = arith.constant 0 : i32
    %scan3A_95 = arith.constant 0 : i32
    %scan3A_96 = arith.constant 16 : i32
    %scan3A_97 = arith.addi %scan3A_95, %scan3A_96 : i32
    %scan3A_98 = arith.constant 1 : i32
    %scan3A_99 = scf.for %scan3A_144 = %scan3A_95 to %scan3A_97 step %scan3A_98 iter_args(%scan3A_145 = %scan3A) -> (i32)  : i32 {
      %add3A_146 = arith.constant 0 : i32
      %add3A_147 = arith.addi %add3A_146, %scan3A_144 : i32
      %mul3A_148 = arith.constant 4 : i32
      %mul3A_149 = arith.muli %add3A_147, %mul3A_148 : i32
      %jit3A_150 = arith.constant 200 : i32
      %div3A_151 = arith.divsi %mul3A_149, %jit3A_150 : i32
      %sign3A_152 = arith.constant 0 : i32
      %sign3A_153 = arith.cmpi sgt, %mul3A_149, %sign3A_152 : i32
      %sign3A_154 = arith.extui %sign3A_153 : i1 to i32
      %sign3A_155 = arith.constant 0 : i32
      %sign3A_156 = arith.cmpi slt, %mul3A_149, %sign3A_155 : i32
      %sign3A_157 = arith.extui %sign3A_156 : i1 to i32
      %sign3A_158 = arith.subi %sign3A_154, %sign3A_157 : i32
      %sign3A_159 = arith.constant 0 : i32
      %sign3A_160 = arith.cmpi sgt, %jit3A_150, %sign3A_159 : i32
      %sign3A_161 = arith.extui %sign3A_160 : i1 to i32
      %sign3A_162 = arith.constant 0 : i32
      %sign3A_163 = arith.cmpi slt, %jit3A_150, %sign3A_162 : i32
      %sign3A_164 = arith.extui %sign3A_163 : i1 to i32
      %sign3A_165 = arith.subi %sign3A_161, %sign3A_164 : i32
      %ne3A_166 = arith.cmpi ne, %sign3A_158, %sign3A_165 : i32
      %rem3A_167 = arith.remsi %mul3A_149, %jit3A_150 : i32
      %ne3A_168 = arith.constant 0 : i32
      %ne3A_169 = arith.cmpi ne, %rem3A_167, %ne3A_168 : i32
      %and3A_170 = arith.andi %ne3A_166, %ne3A_169 : i1
      %sub3A_171 = arith.constant 1 : i32
      %sub3A_172 = arith.subi %div3A_151, %sub3A_171 : i32
      %select_n3A_173 = arith.select %and3A_170, %sub3A_172, %div3A_151 : i32
      %jit3A_174 = arith.constant 200 : i32
      %eq3A_175 = arith.constant 0 : i32
      %eq3A_176 = arith.cmpi eq, %jit3A_174, %eq3A_175 : i32
      %jit3A_177 = arith.constant 1 : i32
      %select_n3A_178 = arith.select %eq3A_176, %jit3A_177, %jit3A_174 : i32
      %rem3A_179 = arith.remsi %mul3A_149, %select_n3A_178 : i32
      %ne3A_180 = arith.constant 0 : i32
      %ne3A_181 = arith.cmpi ne, %rem3A_179, %ne3A_180 : i32
      %lt3A_182 = arith.constant 0 : i32
      %lt3A_183 = arith.cmpi slt, %rem3A_179, %lt3A_182 : i32
      %lt3A_184 = arith.constant 0 : i32
      %lt3A_185 = arith.cmpi slt, %select_n3A_178, %lt3A_184 : i32
      %ne3A_186 = arith.xori %lt3A_183, %lt3A_185 : i1
      %and3A_187 = arith.andi %ne3A_186, %ne3A_181 : i1
      %add3A_188 = arith.addi %rem3A_179, %select_n3A_178 : i32
      %select_n3A_189 = arith.select %and3A_187, %add3A_188, %rem3A_179 : i32
      %add3A_190 = vector.broadcast %select_n3A_189 : i32 to vector<16xi32>
      %add3A_191 = arith.addi %add3A_190, %select_n3A_87 : vector<16xi32>
      %broadcast_in_dim3A = vector.broadcast %select_n3A_173 : i32 to vector<16xi32>
      %gather3A = tpu.vector_load_idx %arg5[%add3A_191, %select_n3A_56, %broadcast_in_dim3A] : memref<200x4x32xf32, #tpu.memory_space<vmem>>[vector<16xi32>, vector<16xi32>, vector<16xi32>], vector<16xf32>,
      %max3A = arith.constant 0.000000e+00 : f32
      %max3A_192 = vector.broadcast %max3A : f32 to vector<16xf32>
      %max3A_193 = arith.maximumf %gather3A, %max3A_192 : vector<16xf32>
      %min3A = arith.constant 1.279000e+03 : f32
      %min3A_194 = vector.broadcast %min3A : f32 to vector<16xf32>
      %min3A_195 = arith.minimumf %max3A_193, %min3A_194 : vector<16xf32>
      %convert_element_type3A = arith.fptosi %min3A_195 : vector<16xf32> to vector<16xi32>
      %add3A_196 = arith.addi %convert_element_type3A, %mul3A_90 : vector<16xi32>
      %mul3A_197 = arith.constant 16 : i32
      %mul3A_198 = arith.muli %scan3A_144, %mul3A_197 : i32
      %swap3A = arith.index_cast %mul3A_198 : i32 to index
      %swap3A_199 = tpu.vector_load %arg6[%swap3A] {strides = array<i32>} : memref<256xi32, #tpu.memory_space<vmem>>, vector<16xi32>,
      tpu.vector_store %arg6[%swap3A], %add3A_196 {strides = array<i32>} : memref<256xi32, #tpu.memory_space<vmem>>, vector<16xi32>,
      %scan3A_200 = arith.constant 0 : i32
      scf.yield %scan3A_200 : i32
    }
    %scan3A_100 = arith.constant 16 : i32
    %dma_start3A = arith.constant 0 : i32
    %dma_start3A_101 = arith.constant 0 : i32
    %dma_start3A_102 = tpu.memref_slice %arg9[%dma_start3A, %dma_start3A_101] : memref<256x32xf32, #tpu.memory_space<vmem>> -> memref<128x32xf32, #tpu.memory_space<vmem>>
    %dma_start3A_103 = arith.constant 0 : i32
    %dma_start3A_104 = tpu.memref_slice %arg6[%dma_start3A_103] : memref<256xi32, #tpu.memory_space<vmem>> -> memref<128xi32, #tpu.memory_space<vmem>>
    %dma_start3A_105 = arith.constant 0 : i32
    %dma_start3A_106 = arith.constant 0 : i32
    %dma_start3A_107 = tpu.memref_slice %arg12[%dma_start3A_105, %dma_start3A_106] : memref<5120x32xf32, #tpu.memory_space<vmem_shared>> -> memref<5120x32xf32, #tpu.memory_space<vmem_shared>>
    tpu.enqueue_indirect_dma source(%dma_start3A_107 : memref<5120x32xf32, #tpu.memory_space<vmem_shared>>) target(%dma_start3A_102 : memref<128x32xf32, #tpu.memory_space<vmem>>) offsets(%dma_start3A_104 : memref<128xi32, #tpu.memory_space<vmem>>) semaphore(%arg13 : memref<!tpu.dma_semaphore, #tpu.memory_space<semaphore_mem>>)
    %dma_start3A_108 = arith.constant 128 : i32
    %dma_start3A_109 = arith.constant 0 : i32
    %dma_start3A_110 = tpu.memref_slice %arg9[%dma_start3A_108, %dma_start3A_109] : memref<256x32xf32, #tpu.memory_space<vmem>> -> memref<128x32xf32, #tpu.memory_space<vmem>>
    %dma_start3A_111 = arith.constant 128 : i32
    %dma_start3A_112 = tpu.memref_slice %arg6[%dma_start3A_111] : memref<256xi32, #tpu.memory_space<vmem>> -> memref<128xi32, #tpu.memory_space<vmem>>
    %dma_start3A_113 = arith.constant 0 : i32
    %dma_start3A_114 = arith.constant 0 : i32
    %dma_start3A_115 = tpu.memref_slice %arg12[%dma_start3A_113, %dma_start3A_114] : memref<5120x32xf32, #tpu.memory_space<vmem_shared>> -> memref<5120x32xf32, #tpu.memory_space<vmem_shared>>
    tpu.enqueue_indirect_dma source(%dma_start3A_115 : memref<5120x32xf32, #tpu.memory_space<vmem_shared>>) target(%dma_start3A_110 : memref<128x32xf32, #tpu.memory_space<vmem>>) offsets(%dma_start3A_112 : memref<128xi32, #tpu.memory_space<vmem>>) semaphore(%arg13 : memref<!tpu.dma_semaphore, #tpu.memory_space<semaphore_mem>>)
    %scan3A_116 = arith.constant 0 : i32
    %scan3A_117 = arith.constant 0 : i32
    %scan3A_118 = arith.constant 33 : i32
    %scan3A_119 = arith.addi %scan3A_117, %scan3A_118 : i32
    %scan3A_120 = arith.constant 1 : i32
    %scan3A_121 = scf.for %scan3A_144 = %scan3A_117 to %scan3A_119 step %scan3A_120 iter_args(%scan3A_145 = %scan3A_116) -> (i32)  : i32 {
      %mul3A_146 = arith.constant 3 : i32
      %mul3A_147 = arith.muli %scan3A_144, %mul3A_146 : i32
      %add3A_148 = arith.constant 0 : i32
      %add3A_149 = arith.addi %mul3A_147, %add3A_148 : i32
      %add3A_150 = arith.constant 1 : i32
      %add3A_151 = arith.addi %add3A_149, %add3A_150 : i32
      %mul3A_152 = arith.constant 16 : i32
      %mul3A_153 = arith.muli %add3A_151, %mul3A_152 : i32
      %scan3A_154 = arith.constant 0 : i32
      %scan3A_155 = arith.constant 0 : i32
      %scan3A_156 = arith.constant 16 : i32
      %scan3A_157 = arith.addi %scan3A_155, %scan3A_156 : i32
      %scan3A_158 = arith.constant 1 : i32
      %scan3A_159 = scf.for %scan3A_285 = %scan3A_155 to %scan3A_157 step %scan3A_158 iter_args(%scan3A_286 = %scan3A_154) -> (i32)  : i32 {
        %add3A_287 = arith.addi %mul3A_153, %scan3A_285 : i32
        %mul3A_288 = arith.constant 4 : i32
        %mul3A_289 = arith.muli %add3A_287, %mul3A_288 : i32
        %jit3A_290 = arith.constant 200 : i32
        %div3A_291 = arith.divsi %mul3A_289, %jit3A_290 : i32
        %sign3A_292 = arith.constant 0 : i32
        %sign3A_293 = arith.cmpi sgt, %mul3A_289, %sign3A_292 : i32
        %sign3A_294 = arith.extui %sign3A_293 : i1 to i32
        %sign3A_295 = arith.constant 0 : i32
        %sign3A_296 = arith.cmpi slt, %mul3A_289, %sign3A_295 : i32
        %sign3A_297 = arith.extui %sign3A_296 : i1 to i32
        %sign3A_298 = arith.subi %sign3A_294, %sign3A_297 : i32
        %sign3A_299 = arith.constant 0 : i32
        %sign3A_300 = arith.cmpi sgt, %jit3A_290, %sign3A_299 : i32
        %sign3A_301 = arith.extui %sign3A_300 : i1 to i32
        %sign3A_302 = arith.constant 0 : i32
        %sign3A_303 = arith.cmpi slt, %jit3A_290, %sign3A_302 : i32
        %sign3A_304 = arith.extui %sign3A_303 : i1 to i32
        %sign3A_305 = arith.subi %sign3A_301, %sign3A_304 : i32
        %ne3A_306 = arith.cmpi ne, %sign3A_298, %sign3A_305 : i32
        %rem3A_307 = arith.remsi %mul3A_289, %jit3A_290 : i32
        %ne3A_308 = arith.constant 0 : i32
        %ne3A_309 = arith.cmpi ne, %rem3A_307, %ne3A_308 : i32
        %and3A_310 = arith.andi %ne3A_306, %ne3A_309 : i1
        %sub3A_311 = arith.constant 1 : i32
        %sub3A_312 = arith.subi %div3A_291, %sub3A_311 : i32
        %select_n3A_313 = arith.select %and3A_310, %sub3A_312, %div3A_291 : i32
        %jit3A_314 = arith.constant 200 : i32
        %eq3A_315 = arith.constant 0 : i32
        %eq3A_316 = arith.cmpi eq, %jit3A_314, %eq3A_315 : i32
        %jit3A_317 = arith.constant 1 : i32
        %select_n3A_318 = arith.select %eq3A_316, %jit3A_317, %jit3A_314 : i32
        %rem3A_319 = arith.remsi %mul3A_289, %select_n3A_318 : i32
        %ne3A_320 = arith.constant 0 : i32
        %ne3A_321 = arith.cmpi ne, %rem3A_319, %ne3A_320 : i32
        %lt3A_322 = arith.constant 0 : i32
        %lt3A_323 = arith.cmpi slt, %rem3A_319, %lt3A_322 : i32
        %lt3A_324 = arith.constant 0 : i32
        %lt3A_325 = arith.cmpi slt, %select_n3A_318, %lt3A_324 : i32
        %ne3A_326 = arith.xori %lt3A_323, %lt3A_325 : i1
        %and3A_327 = arith.andi %ne3A_326, %ne3A_321 : i1
        %add3A_328 = arith.addi %rem3A_319, %select_n3A_318 : i32
        %select_n3A_329 = arith.select %and3A_327, %add3A_328, %rem3A_319 : i32
        %add3A_330 = vector.broadcast %select_n3A_329 : i32 to vector<16xi32>
        %add3A_331 = arith.addi %add3A_330, %select_n3A_87 : vector<16xi32>
        %broadcast_in_dim3A = vector.broadcast %select_n3A_313 : i32 to vector<16xi32>
        %gather3A = tpu.vector_load_idx %arg5[%add3A_331, %select_n3A_56, %broadcast_in_dim3A] : memref<200x4x32xf32, #tpu.memory_space<vmem>>[vector<16xi32>, vector<16xi32>, vector<16xi32>], vector<16xf32>,
        %max3A = arith.constant 0.000000e+00 : f32
        %max3A_332 = vector.broadcast %max3A : f32 to vector<16xf32>
        %max3A_333 = arith.maximumf %gather3A, %max3A_332 : vector<16xf32>
        %min3A = arith.constant 1.279000e+03 : f32
        %min3A_334 = vector.broadcast %min3A : f32 to vector<16xf32>
        %min3A_335 = arith.minimumf %max3A_333, %min3A_334 : vector<16xf32>
        %convert_element_type3A_336 = arith.fptosi %min3A_335 : vector<16xf32> to vector<16xi32>
        %add3A_337 = arith.addi %convert_element_type3A_336, %mul3A_90 : vector<16xi32>
        %mul3A_338 = arith.constant 16 : i32
        %mul3A_339 = arith.muli %scan3A_285, %mul3A_338 : i32
        %swap3A = arith.index_cast %mul3A_339 : i32 to index
        %swap3A_340 = tpu.vector_load %arg7[%swap3A] {strides = array<i32>} : memref<256xi32, #tpu.memory_space<vmem>>, vector<16xi32>,
        tpu.vector_store %arg7[%swap3A], %add3A_337 {strides = array<i32>} : memref<256xi32, #tpu.memory_space<vmem>>, vector<16xi32>,
        %scan3A_341 = arith.constant 0 : i32
        scf.yield %scan3A_341 : i32
      }
      %scan3A_160 = arith.constant 16 : i32
      %ge3A = arith.constant 2 : i32
      %ge3A_161 = arith.cmpi sge, %add3A_149, %ge3A : i32
      %convert_element_type3A = arith.extui %ge3A_161 : i1 to i32
      %cond3A = arith.constant 0 : i32
      %cond3A_162 = arith.cmpi ne, %convert_element_type3A, %cond3A : i32
      scf.if %cond3A_162 {
        %dma_wait3A_285 = arith.constant 0 : i32
        %dma_wait3A_286 = tpu.memref_slice %arg4[%mul3A_2, %dma_wait3A_285] : memref<819200x32xf32, #tpu.memory_space<hbm>> -> memref<256x32xf32, #tpu.memory_space<hbm>>
        %dma_wait3A_287 = arith.constant 0 : i32
        %dma_wait3A_288 = tpu.memref_slice %arg4[%mul3A_2, %dma_wait3A_287] : memref<819200x32xf32, #tpu.memory_space<hbm>> -> memref<256x32xf32, #tpu.memory_space<hbm>>
        tpu.wait_dma2 semaphore(%arg17 : memref<!tpu.dma_semaphore, #tpu.memory_space<semaphore_mem>>) src(%arg10 : memref<256x32xf32, #tpu.memory_space<vmem>>) dst(%dma_wait3A_288 : memref<256x32xf32, #tpu.memory_space<hbm>>)
      } else {
      }
      %dma_start3A_163 = arith.constant 0 : i32
      %dma_start3A_164 = arith.constant 0 : i32
      %dma_start3A_165 = tpu.memref_slice %arg10[%dma_start3A_163, %dma_start3A_164] : memref<256x32xf32, #tpu.memory_space<vmem>> -> memref<128x32xf32, #tpu.memory_space<vmem>>
      %dma_start3A_166 = arith.constant 0 : i32
      %dma_start3A_167 = tpu.memref_slice %arg7[%dma_start3A_166] : memref<256xi32, #tpu.memory_space<vmem>> -> memref<128xi32, #tpu.memory_space<vmem>>
      %dma_start3A_168 = arith.constant 0 : i32
      %dma_start3A_169 = arith.constant 0 : i32
      %dma_start3A_170 = tpu.memref_slice %arg12[%dma_start3A_168, %dma_start3A_169] : memref<5120x32xf32, #tpu.memory_space<vmem_shared>> -> memref<5120x32xf32, #tpu.memory_space<vmem_shared>>
      tpu.enqueue_indirect_dma source(%dma_start3A_170 : memref<5120x32xf32, #tpu.memory_space<vmem_shared>>) target(%dma_start3A_165 : memref<128x32xf32, #tpu.memory_space<vmem>>) offsets(%dma_start3A_167 : memref<128xi32, #tpu.memory_space<vmem>>) semaphore(%arg14 : memref<!tpu.dma_semaphore, #tpu.memory_space<semaphore_mem>>)
      %dma_start3A_171 = arith.constant 128 : i32
      %dma_start3A_172 = arith.constant 0 : i32
      %dma_start3A_173 = tpu.memref_slice %arg10[%dma_start3A_171, %dma_start3A_172] : memref<256x32xf32, #tpu.memory_space<vmem>> -> memref<128x32xf32, #tpu.memory_space<vmem>>
      %dma_start3A_174 = arith.constant 128 : i32
      %dma_start3A_175 = tpu.memref_slice %arg7[%dma_start3A_174] : memref<256xi32, #tpu.memory_space<vmem>> -> memref<128xi32, #tpu.memory_space<vmem>>
      %dma_start3A_176 = arith.constant 0 : i32
      %dma_start3A_177 = arith.constant 0 : i32
      %dma_start3A_178 = tpu.memref_slice %arg12[%dma_start3A_176, %dma_start3A_177] : memref<5120x32xf32, #tpu.memory_space<vmem_shared>> -> memref<5120x32xf32, #tpu.memory_space<vmem_shared>>
      tpu.enqueue_indirect_dma source(%dma_start3A_178 : memref<5120x32xf32, #tpu.memory_space<vmem_shared>>) target(%dma_start3A_173 : memref<128x32xf32, #tpu.memory_space<vmem>>) offsets(%dma_start3A_175 : memref<128xi32, #tpu.memory_space<vmem>>) semaphore(%arg14 : memref<!tpu.dma_semaphore, #tpu.memory_space<semaphore_mem>>)
      %dma_wait3A_179 = arith.constant 0 : i32
      %dma_wait3A_180 = tpu.memref_slice %arg4[%mul3A_2, %dma_wait3A_179] : memref<819200x32xf32, #tpu.memory_space<hbm>> -> memref<256x32xf32, #tpu.memory_space<hbm>>
      %dma_wait3A_181 = arith.constant 0 : i32
      %dma_wait3A_182 = tpu.memref_slice %arg4[%mul3A_2, %dma_wait3A_181] : memref<819200x32xf32, #tpu.memory_space<hbm>> -> memref<256x32xf32, #tpu.memory_space<hbm>>
      tpu.wait_dma2 semaphore(%arg13 : memref<!tpu.dma_semaphore, #tpu.memory_space<semaphore_mem>>) src(%dma_wait3A_182 : memref<256x32xf32, #tpu.memory_space<hbm>>) dst(%arg9 : memref<256x32xf32, #tpu.memory_space<vmem>>)
      %mul3A_183 = arith.constant 256 : i32
      %mul3A_184 = arith.muli %add3A_149, %mul3A_183 : i32
      %add3A_185 = arith.addi %mul3A_2, %mul3A_184 : i32
      %dma_start3A_186 = arith.constant 0 : i32
      %dma_start3A_187 = tpu.memref_slice %arg4[%add3A_185, %dma_start3A_186] : memref<819200x32xf32, #tpu.memory_space<hbm>> -> memref<256x32xf32, #tpu.memory_space<hbm>>
      %dma_start3A_188 = arith.constant 0 : i32
      %dma_start3A_189 = tpu.memref_slice %arg4[%add3A_185, %dma_start3A_188] : memref<819200x32xf32, #tpu.memory_space<hbm>> -> memref<256x32xf32, #tpu.memory_space<hbm>>
      tpu.enqueue_dma source(%arg9 : memref<256x32xf32, #tpu.memory_space<vmem>>) target(%dma_start3A_189 : memref<256x32xf32, #tpu.memory_space<hbm>>) target_semaphore(%arg16 : memref<!tpu.dma_semaphore, #tpu.memory_space<semaphore_mem>>)
      %mul3A_190 = arith.constant 3 : i32
      %mul3A_191 = arith.muli %scan3A_144, %mul3A_190 : i32
      %add3A_192 = arith.constant 1 : i32
      %add3A_193 = arith.addi %mul3A_191, %add3A_192 : i32
      %add3A_194 = arith.constant 1 : i32
      %add3A_195 = arith.addi %add3A_193, %add3A_194 : i32
      %mul3A_196 = arith.constant 16 : i32
      %mul3A_197 = arith.muli %add3A_195, %mul3A_196 : i32
      %scan3A_198 = arith.constant 0 : i32
      %scan3A_199 = arith.constant 0 : i32
      %scan3A_200 = arith.constant 16 : i32
      %scan3A_201 = arith.addi %scan3A_199, %scan3A_200 : i32
      %scan3A_202 = arith.constant 1 : i32
      %scan3A_203 = scf.for %scan3A_285 = %scan3A_199 to %scan3A_201 step %scan3A_202 iter_args(%scan3A_286 = %scan3A_198) -> (i32)  : i32 {
        %add3A_287 = arith.addi %mul3A_197, %scan3A_285 : i32
        %mul3A_288 = arith.constant 4 : i32
        %mul3A_289 = arith.muli %add3A_287, %mul3A_288 : i32
        %jit3A_290 = arith.constant 200 : i32
        %div3A_291 = arith.divsi %mul3A_289, %jit3A_290 : i32
        %sign3A_292 = arith.constant 0 : i32
        %sign3A_293 = arith.cmpi sgt, %mul3A_289, %sign3A_292 : i32
        %sign3A_294 = arith.extui %sign3A_293 : i1 to i32
        %sign3A_295 = arith.constant 0 : i32
        %sign3A_296 = arith.cmpi slt, %mul3A_289, %sign3A_295 : i32
        %sign3A_297 = arith.extui %sign3A_296 : i1 to i32
        %sign3A_298 = arith.subi %sign3A_294, %sign3A_297 : i32
        %sign3A_299 = arith.constant 0 : i32
        %sign3A_300 = arith.cmpi sgt, %jit3A_290, %sign3A_299 : i32
        %sign3A_301 = arith.extui %sign3A_300 : i1 to i32
        %sign3A_302 = arith.constant 0 : i32
        %sign3A_303 = arith.cmpi slt, %jit3A_290, %sign3A_302 : i32
        %sign3A_304 = arith.extui %sign3A_303 : i1 to i32
        %sign3A_305 = arith.subi %sign3A_301, %sign3A_304 : i32
        %ne3A_306 = arith.cmpi ne, %sign3A_298, %sign3A_305 : i32
        %rem3A_307 = arith.remsi %mul3A_289, %jit3A_290 : i32
        %ne3A_308 = arith.constant 0 : i32
        %ne3A_309 = arith.cmpi ne, %rem3A_307, %ne3A_308 : i32
        %and3A_310 = arith.andi %ne3A_306, %ne3A_309 : i1
        %sub3A_311 = arith.constant 1 : i32
        %sub3A_312 = arith.subi %div3A_291, %sub3A_311 : i32
        %select_n3A_313 = arith.select %and3A_310, %sub3A_312, %div3A_291 : i32
        %jit3A_314 = arith.constant 200 : i32
        %eq3A_315 = arith.constant 0 : i32
        %eq3A_316 = arith.cmpi eq, %jit3A_314, %eq3A_315 : i32
        %jit3A_317 = arith.constant 1 : i32
        %select_n3A_318 = arith.select %eq3A_316, %jit3A_317, %jit3A_314 : i32
        %rem3A_319 = arith.remsi %mul3A_289, %select_n3A_318 : i32
        %ne3A_320 = arith.constant 0 : i32
        %ne3A_321 = arith.cmpi ne, %rem3A_319, %ne3A_320 : i32
        %lt3A_322 = arith.constant 0 : i32
        %lt3A_323 = arith.cmpi slt, %rem3A_319, %lt3A_322 : i32
        %lt3A_324 = arith.constant 0 : i32
        %lt3A_325 = arith.cmpi slt, %select_n3A_318, %lt3A_324 : i32
        %ne3A_326 = arith.xori %lt3A_323, %lt3A_325 : i1
        %and3A_327 = arith.andi %ne3A_326, %ne3A_321 : i1
        %add3A_328 = arith.addi %rem3A_319, %select_n3A_318 : i32
        %select_n3A_329 = arith.select %and3A_327, %add3A_328, %rem3A_319 : i32
        %add3A_330 = vector.broadcast %select_n3A_329 : i32 to vector<16xi32>
        %add3A_331 = arith.addi %add3A_330, %select_n3A_87 : vector<16xi32>
        %broadcast_in_dim3A = vector.broadcast %select_n3A_313 : i32 to vector<16xi32>
        %gather3A = tpu.vector_load_idx %arg5[%add3A_331, %select_n3A_56, %broadcast_in_dim3A] : memref<200x4x32xf32, #tpu.memory_space<vmem>>[vector<16xi32>, vector<16xi32>, vector<16xi32>], vector<16xf32>,
        %max3A = arith.constant 0.000000e+00 : f32
        %max3A_332 = vector.broadcast %max3A : f32 to vector<16xf32>
        %max3A_333 = arith.maximumf %gather3A, %max3A_332 : vector<16xf32>
        %min3A = arith.constant 1.279000e+03 : f32
        %min3A_334 = vector.broadcast %min3A : f32 to vector<16xf32>
        %min3A_335 = arith.minimumf %max3A_333, %min3A_334 : vector<16xf32>
        %convert_element_type3A_336 = arith.fptosi %min3A_335 : vector<16xf32> to vector<16xi32>
        %add3A_337 = arith.addi %convert_element_type3A_336, %mul3A_90 : vector<16xi32>
        %mul3A_338 = arith.constant 16 : i32
        %mul3A_339 = arith.muli %scan3A_285, %mul3A_338 : i32
        %swap3A = arith.index_cast %mul3A_339 : i32 to index
        %swap3A_340 = tpu.vector_load %arg8[%swap3A] {strides = array<i32>} : memref<256xi32, #tpu.memory_space<vmem>>, vector<16xi32>,
        tpu.vector_store %arg8[%swap3A], %add3A_337 {strides = array<i32>} : memref<256xi32, #tpu.memory_space<vmem>>, vector<16xi32>,
        %scan3A_341 = arith.constant 0 : i32
        scf.yield %scan3A_341 : i32
      }
      %scan3A_204 = arith.constant 16 : i32
      %ge3A_205 = arith.constant 2 : i32
      %ge3A_206 = arith.cmpi sge, %add3A_193, %ge3A_205 : i32
      %convert_element_type3A_207 = arith.extui %ge3A_206 : i1 to i32
      %cond3A_208 = arith.constant 0 : i32
      %cond3A_209 = arith.cmpi ne, %convert_element_type3A_207, %cond3A_208 : i32
      scf.if %cond3A_209 {
        %dma_wait3A_285 = arith.constant 0 : i32
        %dma_wait3A_286 = tpu.memref_slice %arg4[%mul3A_2, %dma_wait3A_285] : memref<819200x32xf32, #tpu.memory_space<hbm>> -> memref<256x32xf32, #tpu.memory_space<hbm>>
        %dma_wait3A_287 = arith.constant 0 : i32
        %dma_wait3A_288 = tpu.memref_slice %arg4[%mul3A_2, %dma_wait3A_287] : memref<819200x32xf32, #tpu.memory_space<hbm>> -> memref<256x32xf32, #tpu.memory_space<hbm>>
        tpu.wait_dma2 semaphore(%arg18 : memref<!tpu.dma_semaphore, #tpu.memory_space<semaphore_mem>>) src(%arg11 : memref<256x32xf32, #tpu.memory_space<vmem>>) dst(%dma_wait3A_288 : memref<256x32xf32, #tpu.memory_space<hbm>>)
      } else {
      }
      %dma_start3A_210 = arith.constant 0 : i32
      %dma_start3A_211 = arith.constant 0 : i32
      %dma_start3A_212 = tpu.memref_slice %arg11[%dma_start3A_210, %dma_start3A_211] : memref<256x32xf32, #tpu.memory_space<vmem>> -> memref<128x32xf32, #tpu.memory_space<vmem>>
      %dma_start3A_213 = arith.constant 0 : i32
      %dma_start3A_214 = tpu.memref_slice %arg8[%dma_start3A_213] : memref<256xi32, #tpu.memory_space<vmem>> -> memref<128xi32, #tpu.memory_space<vmem>>
      %dma_start3A_215 = arith.constant 0 : i32
      %dma_start3A_216 = arith.constant 0 : i32
      %dma_start3A_217 = tpu.memref_slice %arg12[%dma_start3A_215, %dma_start3A_216] : memref<5120x32xf32, #tpu.memory_space<vmem_shared>> -> memref<5120x32xf32, #tpu.memory_space<vmem_shared>>
      tpu.enqueue_indirect_dma source(%dma_start3A_217 : memref<5120x32xf32, #tpu.memory_space<vmem_shared>>) target(%dma_start3A_212 : memref<128x32xf32, #tpu.memory_space<vmem>>) offsets(%dma_start3A_214 : memref<128xi32, #tpu.memory_space<vmem>>) semaphore(%arg15 : memref<!tpu.dma_semaphore, #tpu.memory_space<semaphore_mem>>)
      %dma_start3A_218 = arith.constant 128 : i32
      %dma_start3A_219 = arith.constant 0 : i32
      %dma_start3A_220 = tpu.memref_slice %arg11[%dma_start3A_218, %dma_start3A_219] : memref<256x32xf32, #tpu.memory_space<vmem>> -> memref<128x32xf32, #tpu.memory_space<vmem>>
      %dma_start3A_221 = arith.constant 128 : i32
      %dma_start3A_222 = tpu.memref_slice %arg8[%dma_start3A_221] : memref<256xi32, #tpu.memory_space<vmem>> -> memref<128xi32, #tpu.memory_space<vmem>>
      %dma_start3A_223 = arith.constant 0 : i32
      %dma_start3A_224 = arith.constant 0 : i32
      %dma_start3A_225 = tpu.memref_slice %arg12[%dma_start3A_223, %dma_start3A_224] : memref<5120x32xf32, #tpu.memory_space<vmem_shared>> -> memref<5120x32xf32, #tpu.memory_space<vmem_shared>>
      tpu.enqueue_indirect_dma source(%dma_start3A_225 : memref<5120x32xf32, #tpu.memory_space<vmem_shared>>) target(%dma_start3A_220 : memref<128x32xf32, #tpu.memory_space<vmem>>) offsets(%dma_start3A_222 : memref<128xi32, #tpu.memory_space<vmem>>) semaphore(%arg15 : memref<!tpu.dma_semaphore, #tpu.memory_space<semaphore_mem>>)
      %dma_wait3A_226 = arith.constant 0 : i32
      %dma_wait3A_227 = tpu.memref_slice %arg4[%mul3A_2, %dma_wait3A_226] : memref<819200x32xf32, #tpu.memory_space<hbm>> -> memref<256x32xf32, #tpu.memory_space<hbm>>
      %dma_wait3A_228 = arith.constant 0 : i32
      %dma_wait3A_229 = tpu.memref_slice %arg4[%mul3A_2, %dma_wait3A_228] : memref<819200x32xf32, #tpu.memory_space<hbm>> -> memref<256x32xf32, #tpu.memory_space<hbm>>
      tpu.wait_dma2 semaphore(%arg14 : memref<!tpu.dma_semaphore, #tpu.memory_space<semaphore_mem>>) src(%dma_wait3A_229 : memref<256x32xf32, #tpu.memory_space<hbm>>) dst(%arg10 : memref<256x32xf32, #tpu.memory_space<vmem>>)
      %mul3A_230 = arith.constant 256 : i32
      %mul3A_231 = arith.muli %add3A_193, %mul3A_230 : i32
      %add3A_232 = arith.addi %mul3A_2, %mul3A_231 : i32
      %dma_start3A_233 = arith.constant 0 : i32
      %dma_start3A_234 = tpu.memref_slice %arg4[%add3A_232, %dma_start3A_233] : memref<819200x32xf32, #tpu.memory_space<hbm>> -> memref<256x32xf32, #tpu.memory_space<hbm>>
      %dma_start3A_235 = arith.constant 0 : i32
      %dma_start3A_236 = tpu.memref_slice %arg4[%add3A_232, %dma_start3A_235] : memref<819200x32xf32, #tpu.memory_space<hbm>> -> memref<256x32xf32, #tpu.memory_space<hbm>>
      tpu.enqueue_dma source(%arg10 : memref<256x32xf32, #tpu.memory_space<vmem>>) target(%dma_start3A_236 : memref<256x32xf32, #tpu.memory_space<hbm>>) target_semaphore(%arg17 : memref<!tpu.dma_semaphore, #tpu.memory_space<semaphore_mem>>)
      %mul3A_237 = arith.constant 3 : i32
      %mul3A_238 = arith.muli %scan3A_144, %mul3A_237 : i32
      %add3A_239 = arith.constant 2 : i32
      %add3A_240 = arith.addi %mul3A_238, %add3A_239 : i32
      %add3A_241 = arith.constant 1 : i32
      %add3A_242 = arith.addi %add3A_240, %add3A_241 : i32
      %mul3A_243 = arith.constant 16 : i32
      %mul3A_244 = arith.muli %add3A_242, %mul3A_243 : i32
      %scan3A_245 = arith.constant 0 : i32
      %scan3A_246 = arith.constant 0 : i32
      %scan3A_247 = arith.constant 16 : i32
      %scan3A_248 = arith.addi %scan3A_246, %scan3A_247 : i32
      %scan3A_249 = arith.constant 1 : i32
      %scan3A_250 = scf.for %scan3A_285 = %scan3A_246 to %scan3A_248 step %scan3A_249 iter_args(%scan3A_286 = %scan3A_245) -> (i32)  : i32 {
        %add3A_287 = arith.addi %mul3A_244, %scan3A_285 : i32
        %mul3A_288 = arith.constant 4 : i32
        %mul3A_289 = arith.muli %add3A_287, %mul3A_288 : i32
        %jit3A_290 = arith.constant 200 : i32
        %div3A_291 = arith.divsi %mul3A_289, %jit3A_290 : i32
        %sign3A_292 = arith.constant 0 : i32
        %sign3A_293 = arith.cmpi sgt, %mul3A_289, %sign3A_292 : i32
        %sign3A_294 = arith.extui %sign3A_293 : i1 to i32
        %sign3A_295 = arith.constant 0 : i32
        %sign3A_296 = arith.cmpi slt, %mul3A_289, %sign3A_295 : i32
        %sign3A_297 = arith.extui %sign3A_296 : i1 to i32
        %sign3A_298 = arith.subi %sign3A_294, %sign3A_297 : i32
        %sign3A_299 = arith.constant 0 : i32
        %sign3A_300 = arith.cmpi sgt, %jit3A_290, %sign3A_299 : i32
        %sign3A_301 = arith.extui %sign3A_300 : i1 to i32
        %sign3A_302 = arith.constant 0 : i32
        %sign3A_303 = arith.cmpi slt, %jit3A_290, %sign3A_302 : i32
        %sign3A_304 = arith.extui %sign3A_303 : i1 to i32
        %sign3A_305 = arith.subi %sign3A_301, %sign3A_304 : i32
        %ne3A_306 = arith.cmpi ne, %sign3A_298, %sign3A_305 : i32
        %rem3A_307 = arith.remsi %mul3A_289, %jit3A_290 : i32
        %ne3A_308 = arith.constant 0 : i32
        %ne3A_309 = arith.cmpi ne, %rem3A_307, %ne3A_308 : i32
        %and3A_310 = arith.andi %ne3A_306, %ne3A_309 : i1
        %sub3A_311 = arith.constant 1 : i32
        %sub3A_312 = arith.subi %div3A_291, %sub3A_311 : i32
        %select_n3A_313 = arith.select %and3A_310, %sub3A_312, %div3A_291 : i32
        %jit3A_314 = arith.constant 200 : i32
        %eq3A_315 = arith.constant 0 : i32
        %eq3A_316 = arith.cmpi eq, %jit3A_314, %eq3A_315 : i32
        %jit3A_317 = arith.constant 1 : i32
        %select_n3A_318 = arith.select %eq3A_316, %jit3A_317, %jit3A_314 : i32
        %rem3A_319 = arith.remsi %mul3A_289, %select_n3A_318 : i32
        %ne3A_320 = arith.constant 0 : i32
        %ne3A_321 = arith.cmpi ne, %rem3A_319, %ne3A_320 : i32
        %lt3A_322 = arith.constant 0 : i32
        %lt3A_323 = arith.cmpi slt, %rem3A_319, %lt3A_322 : i32
        %lt3A_324 = arith.constant 0 : i32
        %lt3A_325 = arith.cmpi slt, %select_n3A_318, %lt3A_324 : i32
        %ne3A_326 = arith.xori %lt3A_323, %lt3A_325 : i1
        %and3A_327 = arith.andi %ne3A_326, %ne3A_321 : i1
        %add3A_328 = arith.addi %rem3A_319, %select_n3A_318 : i32
        %select_n3A_329 = arith.select %and3A_327, %add3A_328, %rem3A_319 : i32
        %add3A_330 = vector.broadcast %select_n3A_329 : i32 to vector<16xi32>
        %add3A_331 = arith.addi %add3A_330, %select_n3A_87 : vector<16xi32>
        %broadcast_in_dim3A = vector.broadcast %select_n3A_313 : i32 to vector<16xi32>
        %gather3A = tpu.vector_load_idx %arg5[%add3A_331, %select_n3A_56, %broadcast_in_dim3A] : memref<200x4x32xf32, #tpu.memory_space<vmem>>[vector<16xi32>, vector<16xi32>, vector<16xi32>], vector<16xf32>,
        %max3A = arith.constant 0.000000e+00 : f32
        %max3A_332 = vector.broadcast %max3A : f32 to vector<16xf32>
        %max3A_333 = arith.maximumf %gather3A, %max3A_332 : vector<16xf32>
        %min3A = arith.constant 1.279000e+03 : f32
        %min3A_334 = vector.broadcast %min3A : f32 to vector<16xf32>
        %min3A_335 = arith.minimumf %max3A_333, %min3A_334 : vector<16xf32>
        %convert_element_type3A_336 = arith.fptosi %min3A_335 : vector<16xf32> to vector<16xi32>
        %add3A_337 = arith.addi %convert_element_type3A_336, %mul3A_90 : vector<16xi32>
        %mul3A_338 = arith.constant 16 : i32
        %mul3A_339 = arith.muli %scan3A_285, %mul3A_338 : i32
        %swap3A = arith.index_cast %mul3A_339 : i32 to index
        %swap3A_340 = tpu.vector_load %arg6[%swap3A] {strides = array<i32>} : memref<256xi32, #tpu.memory_space<vmem>>, vector<16xi32>,
        tpu.vector_store %arg6[%swap3A], %add3A_337 {strides = array<i32>} : memref<256xi32, #tpu.memory_space<vmem>>, vector<16xi32>,
        %scan3A_341 = arith.constant 0 : i32
        scf.yield %scan3A_341 : i32
      }
      %scan3A_251 = arith.constant 16 : i32
      %ge3A_252 = arith.constant 2 : i32
      %ge3A_253 = arith.cmpi sge, %add3A_240, %ge3A_252 : i32
      %convert_element_type3A_254 = arith.extui %ge3A_253 : i1 to i32
      %cond3A_255 = arith.constant 0 : i32
      %cond3A_256 = arith.cmpi ne, %convert_element_type3A_254, %cond3A_255 : i32
      scf.if %cond3A_256 {
        %dma_wait3A_285 = arith.constant 0 : i32
        %dma_wait3A_286 = tpu.memref_slice %arg4[%mul3A_2, %dma_wait3A_285] : memref<819200x32xf32, #tpu.memory_space<hbm>> -> memref<256x32xf32, #tpu.memory_space<hbm>>
        %dma_wait3A_287 = arith.constant 0 : i32
        %dma_wait3A_288 = tpu.memref_slice %arg4[%mul3A_2, %dma_wait3A_287] : memref<819200x32xf32, #tpu.memory_space<hbm>> -> memref<256x32xf32, #tpu.memory_space<hbm>>
        tpu.wait_dma2 semaphore(%arg16 : memref<!tpu.dma_semaphore, #tpu.memory_space<semaphore_mem>>) src(%arg9 : memref<256x32xf32, #tpu.memory_space<vmem>>) dst(%dma_wait3A_288 : memref<256x32xf32, #tpu.memory_space<hbm>>)
      } else {
      }
      %dma_start3A_257 = arith.constant 0 : i32
      %dma_start3A_258 = arith.constant 0 : i32
      %dma_start3A_259 = tpu.memref_slice %arg9[%dma_start3A_257, %dma_start3A_258] : memref<256x32xf32, #tpu.memory_space<vmem>> -> memref<128x32xf32, #tpu.memory_space<vmem>>
      %dma_start3A_260 = arith.constant 0 : i32
      %dma_start3A_261 = tpu.memref_slice %arg6[%dma_start3A_260] : memref<256xi32, #tpu.memory_space<vmem>> -> memref<128xi32, #tpu.memory_space<vmem>>
      %dma_start3A_262 = arith.constant 0 : i32
      %dma_start3A_263 = arith.constant 0 : i32
      %dma_start3A_264 = tpu.memref_slice %arg12[%dma_start3A_262, %dma_start3A_263] : memref<5120x32xf32, #tpu.memory_space<vmem_shared>> -> memref<5120x32xf32, #tpu.memory_space<vmem_shared>>
      tpu.enqueue_indirect_dma source(%dma_start3A_264 : memref<5120x32xf32, #tpu.memory_space<vmem_shared>>) target(%dma_start3A_259 : memref<128x32xf32, #tpu.memory_space<vmem>>) offsets(%dma_start3A_261 : memref<128xi32, #tpu.memory_space<vmem>>) semaphore(%arg13 : memref<!tpu.dma_semaphore, #tpu.memory_space<semaphore_mem>>)
      %dma_start3A_265 = arith.constant 128 : i32
      %dma_start3A_266 = arith.constant 0 : i32
      %dma_start3A_267 = tpu.memref_slice %arg9[%dma_start3A_265, %dma_start3A_266] : memref<256x32xf32, #tpu.memory_space<vmem>> -> memref<128x32xf32, #tpu.memory_space<vmem>>
      %dma_start3A_268 = arith.constant 128 : i32
      %dma_start3A_269 = tpu.memref_slice %arg6[%dma_start3A_268] : memref<256xi32, #tpu.memory_space<vmem>> -> memref<128xi32, #tpu.memory_space<vmem>>
      %dma_start3A_270 = arith.constant 0 : i32
      %dma_start3A_271 = arith.constant 0 : i32
      %dma_start3A_272 = tpu.memref_slice %arg12[%dma_start3A_270, %dma_start3A_271] : memref<5120x32xf32, #tpu.memory_space<vmem_shared>> -> memref<5120x32xf32, #tpu.memory_space<vmem_shared>>
      tpu.enqueue_indirect_dma source(%dma_start3A_272 : memref<5120x32xf32, #tpu.memory_space<vmem_shared>>) target(%dma_start3A_267 : memref<128x32xf32, #tpu.memory_space<vmem>>) offsets(%dma_start3A_269 : memref<128xi32, #tpu.memory_space<vmem>>) semaphore(%arg13 : memref<!tpu.dma_semaphore, #tpu.memory_space<semaphore_mem>>)
      %dma_wait3A_273 = arith.constant 0 : i32
      %dma_wait3A_274 = tpu.memref_slice %arg4[%mul3A_2, %dma_wait3A_273] : memref<819200x32xf32, #tpu.memory_space<hbm>> -> memref<256x32xf32, #tpu.memory_space<hbm>>
      %dma_wait3A_275 = arith.constant 0 : i32
      %dma_wait3A_276 = tpu.memref_slice %arg4[%mul3A_2, %dma_wait3A_275] : memref<819200x32xf32, #tpu.memory_space<hbm>> -> memref<256x32xf32, #tpu.memory_space<hbm>>
      tpu.wait_dma2 semaphore(%arg15 : memref<!tpu.dma_semaphore, #tpu.memory_space<semaphore_mem>>) src(%dma_wait3A_276 : memref<256x32xf32, #tpu.memory_space<hbm>>) dst(%arg11 : memref<256x32xf32, #tpu.memory_space<vmem>>)
      %mul3A_277 = arith.constant 256 : i32
      %mul3A_278 = arith.muli %add3A_240, %mul3A_277 : i32
      %add3A_279 = arith.addi %mul3A_2, %mul3A_278 : i32
      %dma_start3A_280 = arith.constant 0 : i32
      %dma_start3A_281 = tpu.memref_slice %arg4[%add3A_279, %dma_start3A_280] : memref<819200x32xf32, #tpu.memory_space<hbm>> -> memref<256x32xf32, #tpu.memory_space<hbm>>
      %dma_start3A_282 = arith.constant 0 : i32
      %dma_start3A_283 = tpu.memref_slice %arg4[%add3A_279, %dma_start3A_282] : memref<819200x32xf32, #tpu.memory_space<hbm>> -> memref<256x32xf32, #tpu.memory_space<hbm>>
      tpu.enqueue_dma source(%arg11 : memref<256x32xf32, #tpu.memory_space<vmem>>) target(%dma_start3A_283 : memref<256x32xf32, #tpu.memory_space<hbm>>) target_semaphore(%arg18 : memref<!tpu.dma_semaphore, #tpu.memory_space<semaphore_mem>>)
      %scan3A_284 = arith.constant 0 : i32
      scf.yield %scan3A_284 : i32
    }
    %scan3A_122 = arith.constant 33 : i32
    %dma_wait3A = arith.constant 0 : i32
    %dma_wait3A_123 = tpu.memref_slice %arg4[%mul3A_2, %dma_wait3A] : memref<819200x32xf32, #tpu.memory_space<hbm>> -> memref<256x32xf32, #tpu.memory_space<hbm>>
    %dma_wait3A_124 = arith.constant 0 : i32
    %dma_wait3A_125 = tpu.memref_slice %arg4[%mul3A_2, %dma_wait3A_124] : memref<819200x32xf32, #tpu.memory_space<hbm>> -> memref<256x32xf32, #tpu.memory_space<hbm>>
    tpu.wait_dma2 semaphore(%arg13 : memref<!tpu.dma_semaphore, #tpu.memory_space<semaphore_mem>>) src(%dma_wait3A_125 : memref<256x32xf32, #tpu.memory_space<hbm>>) dst(%arg9 : memref<256x32xf32, #tpu.memory_space<vmem>>)
    %add3A_126 = arith.constant 25344 : i32
    %add3A_127 = arith.addi %mul3A_2, %add3A_126 : i32
    %dma_start3A_128 = arith.constant 0 : i32
    %dma_start3A_129 = tpu.memref_slice %arg4[%add3A_127, %dma_start3A_128] : memref<819200x32xf32, #tpu.memory_space<hbm>> -> memref<256x32xf32, #tpu.memory_space<hbm>>
    %dma_start3A_130 = arith.constant 0 : i32
    %dma_start3A_131 = tpu.memref_slice %arg4[%add3A_127, %dma_start3A_130] : memref<819200x32xf32, #tpu.memory_space<hbm>> -> memref<256x32xf32, #tpu.memory_space<hbm>>
    tpu.enqueue_dma source(%arg9 : memref<256x32xf32, #tpu.memory_space<vmem>>) target(%dma_start3A_131 : memref<256x32xf32, #tpu.memory_space<hbm>>) target_semaphore(%arg16 : memref<!tpu.dma_semaphore, #tpu.memory_space<semaphore_mem>>)
    %dma_wait3A_132 = arith.constant 0 : i32
    %dma_wait3A_133 = tpu.memref_slice %arg4[%mul3A_2, %dma_wait3A_132] : memref<819200x32xf32, #tpu.memory_space<hbm>> -> memref<256x32xf32, #tpu.memory_space<hbm>>
    %dma_wait3A_134 = arith.constant 0 : i32
    %dma_wait3A_135 = tpu.memref_slice %arg4[%mul3A_2, %dma_wait3A_134] : memref<819200x32xf32, #tpu.memory_space<hbm>> -> memref<256x32xf32, #tpu.memory_space<hbm>>
    tpu.wait_dma2 semaphore(%arg16 : memref<!tpu.dma_semaphore, #tpu.memory_space<semaphore_mem>>) src(%arg9 : memref<256x32xf32, #tpu.memory_space<vmem>>) dst(%dma_wait3A_135 : memref<256x32xf32, #tpu.memory_space<hbm>>)
    %dma_wait3A_136 = arith.constant 0 : i32
    %dma_wait3A_137 = tpu.memref_slice %arg4[%mul3A_2, %dma_wait3A_136] : memref<819200x32xf32, #tpu.memory_space<hbm>> -> memref<256x32xf32, #tpu.memory_space<hbm>>
    %dma_wait3A_138 = arith.constant 0 : i32
    %dma_wait3A_139 = tpu.memref_slice %arg4[%mul3A_2, %dma_wait3A_138] : memref<819200x32xf32, #tpu.memory_space<hbm>> -> memref<256x32xf32, #tpu.memory_space<hbm>>
    tpu.wait_dma2 semaphore(%arg17 : memref<!tpu.dma_semaphore, #tpu.memory_space<semaphore_mem>>) src(%arg10 : memref<256x32xf32, #tpu.memory_space<vmem>>) dst(%dma_wait3A_139 : memref<256x32xf32, #tpu.memory_space<hbm>>)
    %dma_wait3A_140 = arith.constant 0 : i32
    %dma_wait3A_141 = tpu.memref_slice %arg4[%mul3A_2, %dma_wait3A_140] : memref<819200x32xf32, #tpu.memory_space<hbm>> -> memref<256x32xf32, #tpu.memory_space<hbm>>
    %dma_wait3A_142 = arith.constant 0 : i32
    %dma_wait3A_143 = tpu.memref_slice %arg4[%mul3A_2, %dma_wait3A_142] : memref<819200x32xf32, #tpu.memory_space<hbm>> -> memref<256x32xf32, #tpu.memory_space<hbm>>
    tpu.wait_dma2 semaphore(%arg18 : memref<!tpu.dma_semaphore, #tpu.memory_space<semaphore_mem>>) src(%arg11 : memref<256x32xf32, #tpu.memory_space<vmem>>) dst(%dma_wait3A_143 : memref<256x32xf32, #tpu.memory_space<hbm>>)
    return
  }
}

</mosaic_0001>

<sc_bundles>
// kernel: _gather_call.3.cloned.1.call-start
scs
__scs_entry_jumppad:
0x0: {  	(pc) =	sbr.rel $0x88, $3  }
0x1: {  	(tag) =	ssettag $0x0;
	lr =	simm.s32 $0x1  }
0x2: {  	[smem:$0x3F9F] =	sst lr;
	_ =	strace $0xD0000000  }
0x3: {  	_ = 	snop  }
0x4: {  	_ = 	snop  }
0x5: {  	_ = 	snop  }
0x6: {  	_ = 	snop  }
0x7: {  	_ = 	snop  }
__scs_overlays_trampoline_lowered:
0x8: {  	[smem:$0x3FAE] =	sst s0  }
0x9: {  	[smem:$0x3FAF] =	sst s1  }
0xa: {  	[smem:$0x3FB0] =	sst s2  }
0xb: {  	[smem:$0x3FB1] =	sst s3  }
0xc: {  	[smem:$0x3FB2] =	sst s4  }
0xd: {  	[smem:$0x3FB3] =	sst s5  }
0xe: {  	[smem:$0x3FB4] =	sst s6  }
0xf: {  	[smem:$0x3FB5] =	sst s7  }
0x10: {  	[smem:$0x3FB6] =	sst s8  }
0x11: {  	[smem:$0x3FB7] =	sst s9;
	s0 =	simm.s32 @!p0 $0x0  }
0x12: {  	s1 =	sld [smem:$0x3F9D];
	s0 =	simm.s32 @p0 $0x1  }
0x13: {  	[smem:$0x3FB8] =	sst s0;
	s0 =	simm.s32 @!p1 $0x0  }
0x14: {  	s2 =	sld [smem:$0x3F9C];
	s0 =	simm.s32 @p1 $0x1  }
0x15: {  	[smem:$0x3FB9] =	sst s0;
	s0 =	simm.s32 @!p2 $0x0  }
0x16: {  	s3 =	sld [smem:$0x3FDB];
	s0 =	simm.s32 @p2 $0x1  }
0x17: {  	s4 =	simm.s32 $0x1BF5;
	[smem:$0x3FBB] =	sst s0  }
0x18: {  	s0 =	sld [smem:$0x3F9E];
	_ =	swait.ge [sflag:s4], $0x0  }
0x19: {  	s7 =	sld [smem:$0x3F9F]  }
0x1a: {  	s8 =	sadd.s32 $0xFFFFE003, lr  }
0x1b: {  	s9 =	sadd.s32 $0xFFFFFEF7, lr;
	s5 =	simm.s32 $0xFFFFFFFF;
	p2 =	slt.u32 s8, $0xFFFFF086  }
0x1c: {  	p1 =	slt.u32 s9, $0xF7A;
	s5 =	simm.s32 @!p2 $0x0  }
0x1d: {  	s5 =	simm.s32 @p1 $0x1;
	p0 =	seq.s32 s7, s2  }
0x1e: {  	s7 =	smul.u32 @!p0 $0xF7A, s2;
	p2 =	seq.s32 @!p0 s5, $0x0  }
0x1f: {  	s9 =	smul.u32 $0xF7A, s1;
	s8 =	simm.s32 @!p0 $0x1BF5;
	p2 =	por !p2, p0  }
0x20: {  	[sflag:s8] =	ssyncset.s32 @!p0 $0xFFFFF086;
	s6 =	sadd.s32 @!p0 s3, s7;
	s7 =	simm.s32 @!p0 $0x108  }
0x21: {  	s3 =	sadd.s32 s3, s9;
	s6 =	sadd.s32 @!p0 $0x88, s6;
	s7 =	simm.s32 @p2 $0x1082  }
0x22: {  	[simem:s7], [sflag:s8] =	dma.local @!p0 [hbm:s6], $0xF7A  }
0x23: {  	s9 =	sor.u32 $0xD0000000, s2;
	s6 =	simm.s32 $0x108;
	_ =	swait.ge @!p0 [sflag:s8], $0x0  }
0x24: {  	s3 =	sadd.s32 $0x88, s3;
	s6 =	simm.s32 @!p1 $0x1082;
	[sflag:s4] =	ssyncset.s32 $0xFFFFF086  }
0x25: {  	[simem:s6], [sflag:s4] =	dma.local [hbm:s3], $0xF7A  }
0x26: {  	[smem:$0x3F9F] =	sst s1;
	(tag) =	ssettag s2;
	_ =	strace s9  }
0x27: {  	s1 =	sld [smem:$0x3FAF]  }
0x28: {  	s2 =	sld [smem:$0x3FB0]  }
0x29: {  	s4 =	sld [smem:$0x3FB2]  }
0x2a: {  	p0 =	seq.s32 s5, $0x0;
	s5 =	sld [smem:$0x3FB3]  }
0x2b: {  	s6 =	sld [smem:$0x3FB4]  }
0x2c: {  	s7 =	sld [smem:$0x3FB5]  }
0x2d: {  	s3 =	simm.s32 $0x108;
	s8 =	sld [smem:$0x3FB6]  }
0x2e: {  	s3 =	simm.s32 @!p0 $0x1082;
	s9 =	sld [smem:$0x3FB7]  }
0x2f: {  	lr =	sadd.s32 s0, s3;
	s0 =	sld [smem:$0x3FAE]  }
0x30: {  	s3 =	sld [smem:$0x3FB1]  }
0x31: {  	[smem:$0x3FBA] =	sst s10  }
0x32: {  	s10 =	sld [smem:$0x3FB8];
	_ =	sdelay $0x3  }
0x33: {  	p0 =	seq.s32 s10, $0x1;
	s10 =	sld [smem:$0x3FBA];
	_ =	sdelay $0x3  }
0x34: {  	[smem:$0x3FBA] =	sst s10  }
0x35: {  	s10 =	sld [smem:$0x3FB9];
	_ =	sdelay $0x3  }
0x36: {  	p1 =	seq.s32 s10, $0x1;
	s10 =	sld [smem:$0x3FBA];
	_ =	sdelay $0x3  }
0x37: {  	[smem:$0x3FBA] =	sst s10  }
0x38: {  	s10 =	sld [smem:$0x3FBB]  }
0x39: {  	_ = 	snop;
	(pc) =	sbr.ind lr, $3  }
0x3a: {  	_ = 	snop  }
0x3b: {  	_ = 	snop  }
0x3c: {  	p2 =	seq.s32 s10, $0x1;
	s10 =	sld [smem:$0x3FBA]  }
0x3d: {  	_ =	shalt  }
0x3e: {  	_ =	shalt  }
0x3f: {  	_ =	shalt  }
0x40: {  	_ =	shalt  }
0x41: {  	_ =	shalt  }
0x42: {  	_ =	shalt  }
0x43: {  	_ =	shalt  }
0x44: {  	_ =	shalt  }
0x45: {  	_ =	shalt  }
0x46: {  	_ =	shalt  }
0x47: {  	_ =	shalt  }
0x48: {  	_ =	shalt  }
0x49: {  	_ =	shalt  }
0x4a: {  	_ =	shalt  }
0x4b: {  	_ =	shalt  }
0x4c: {  	_ =	shalt  }
0x4d: {  	_ =	shalt  }
0x4e: {  	_ =	shalt  }
0x4f: {  	_ =	shalt  }
0x50: {  	_ =	shalt  }
0x51: {  	_ =	shalt  }
0x52: {  	_ =	shalt  }
0x53: {  	_ =	shalt  }
0x54: {  	_ =	shalt  }
0x55: {  	_ =	shalt  }
0x56: {  	_ =	shalt  }
0x57: {  	_ =	shalt  }
0x58: {  	_ =	shalt  }
0x59: {  	_ =	shalt  }
0x5a: {  	_ =	shalt  }
0x5b: {  	_ =	shalt  }
0x5c: {  	_ =	shalt  }
0x5d: {  	_ =	shalt  }
0x5e: {  	_ =	shalt  }
0x5f: {  	_ =	shalt  }
0x60: {  	_ =	shalt  }
0x61: {  	_ =	shalt  }
0x62: {  	_ =	shalt  }
0x63: {  	_ =	shalt  }
0x64: {  	_ =	shalt  }
0x65: {  	_ =	shalt  }
0x66: {  	_ =	shalt  }
0x67: {  	_ =	shalt  }
0x68: {  	_ =	shalt  }
0x69: {  	_ =	shalt  }
0x6a: {  	_ =	shalt  }
0x6b: {  	_ =	shalt  }
0x6c: {  	_ =	shalt  }
0x6d: {  	_ =	shalt  }
0x6e: {  	_ =	shalt  }
0x6f: {  	_ =	shalt  }
0x70: {  	_ =	shalt  }
0x71: {  	_ =	shalt  }
0x72: {  	_ =	shalt  }
0x73: {  	_ =	shalt  }
0x74: {  	_ =	shalt  }
0x75: {  	_ =	shalt  }
0x76: {  	_ =	shalt  }
0x77: {  	_ =	shalt  }
0x78: {  	_ =	shalt  }
0x79: {  	_ =	shalt  }
0x7a: {  	_ =	shalt  }
0x7b: {  	_ =	shalt  }
0x7c: {  	_ =	shalt  }
0x7d: {  	_ =	shalt  }
0x7e: {  	_ =	shalt  }
0x7f: {  	_ =	shalt  }
0x80: {  	_ =	shalt  }
0x81: {  	_ =	shalt  }
0x82: {  	_ =	shalt  }
0x83: {  	_ =	shalt  }
0x84: {  	_ =	shalt  }
0x85: {  	_ =	shalt  }
0x86: {  	_ =	shalt  }
0x87: {  	_ =	shalt  }
.Lfunc_end0:
.L_simem_size_0:
called_computation.1_lowered:
.L_overlay_start_0:
0x88: {  	s2 =	sld [smem:$0x3FD9]  }
0x89: {  	s3 =	sld [smem:$0x3FFE];
	_ =	sdelay $0x1  }
0x8a: {  	s1 =	srdreg.scid  }
0x8b: {  	s0 =	sand.u32 $0x1, s1  }
0x8c: {  	s17 =	sshll.u32 s0, $0xA;
	s2 =	sadd.s32 s3, s2  }
0x8d: {  	s2 =	sadd.s32 s2, s17  }
0x8e: {  	[smem:$0x3FC6] =	sst s2  }
0x8f: {  	_ = 	snop  }
0x90: {  	s2 =	sld [smem:$0x3FC9]  }
0x91: {  	s18 =	sld [smem:$0x3FD0];
	(tm) =	ssettm $0x1  }
0x92: {  	s4 =	sld [smem:$0x3FFB];
	_ =	sdelay $0x3  }
0x93: {  	_ =	strace s4  }
0x94: {  	s4 =	sld [smem:$0x3FFC];
	_ =	sdelay $0x3  }
0x95: {  	_ =	strace s4  }
0x96: {  	s4 =	sld [smem:$0x3FFD];
	_ =	sdelay $0x3  }
0x97: {  	_ =	strace s4  }
0x98: {  	_ =	strace $0x8FFFFFFF  }
0x99: {  	s19 =	sld [smem:$0x3FDB];
	_ =	sdelay $0x1  }
0x9a: {  	s5 =	simm.s32 $_scs_section_size  }
0x9b: {  	s6 =	simm.s32 $_size__tile_overlayer_lowered;
	s7 =	simm.s32 $_tile_overlayer_lowered  }
0x9c: {  	s22 =	simm.s32 $0x1BFF;
	s21 =	sshll.u32 s7, $0x1;
	s4 =	sadd.s32 s5, s19  }
0x9d: {  	s8 =	simm.s32 $0x0;
	s20 =	sshll.u32 s6, $0x1;
	s6 =	sadd.s32 s21, s4  }
0x9e: {  	[timem:s8], [sflag:s22] =	dma.local [hbm:s6], s20  }
0x9f: {  	_ =	swait.ge [sflag:s22], s20  }
0xa0: {  	s5 =	ssub.s32 $0x0, s20;
	[sflag:s22] =	ssyncset.done $0x0  }
0xa1: {  	[sflag:s22] =	ssyncadd.s32 s5;
	_ =	sdelay $0x1  }
0xa2: {  	s23 =	simm.s32 $0x1B8B  }
0xa3: {  	_ =	swait.ge [sflag:s23], $0x1  }
0xa4: {  	[sflag:s23] =	ssyncset.done $0x0  }
0xa5: {  	s25 =	simm.s32 $0x1B8E;
	s24 =	sld [smem:$0x3FFE];
	[sflag:s23] =	ssyncadd.s32 $0xFFFFFFFF  }
0xa6: {  	s26 =	simm.s32 $execute0_lowered;
	[smem:$0x3FD2] =	sst s25  }
0xa7: {  	s6 =	sshll.u32 s26, $0x1;
	_ =	strace $0x80000046;
	[dreg:$0x1] =	wrdreg $0xFFFFFFFF  }
0xa8: {  	s28 =	simm.s32 $_size_execute0_lowered;
	s4 =	sadd.s32 s4, s6;
	[dreg:$0x0] =	wrdreg $0x0  }
0xa9: {  	s6 =	sshll.u32 s28, $0x1;
	[dreg:$0x2] =	wrdreg s4  }
0xaa: {  	[dreg:$0x3] =	wrdreg s6  }
0xab: {  	[dreg:$0x4] =	wrdreg $0xC0  }
0xac: {  	_ =	task [dreg:s8], $0x5FFFF  }
0xad: {  	[dreg:$0x1] =	wrdreg $0xFFFFFFFF  }
0xae: {  	[dreg:$0x0] =	wrdreg $0x60  }
0xaf: {  	[dreg:$0x2] =	wrdreg s2  }
0xb0: {  	[dreg:$0x3] =	wrdreg s24  }
0xb1: {  	[dreg:$0x4] =	wrdreg s18  }
0xb2: {  	[dreg:$0x5] =	wrdreg $0xC7000  }
0xb3: {  	[dreg:$0x6] =	wrdreg $0x9  }
0xb4: {  	_ =	task.clear_ibuf [dreg:s8], $0x7FFFF;
	_ =	strace $0x90000046  }
0xb5: {  	s29 =	simm.s32 $0x9;
	_ =	strace $0x80000048  }
0xb6: {  	_ =	swait.ge [sflag:s29], $0x1  }
0xb7: {  	[sflag:s29] =	ssyncadd.s32 $0xFFFFFFFF  }
0xb8: {  	_ =	strace $0x90000048  }
0xb9: {  	_ =	sfence  }
0xba: {  	s30 =	sld [smem:$0x0];
	_ =	sdelay $0x2  }
0xbb: {  	s31 =	sshll.u32 s1, $0xD;
	s1 =	sshrl.u32 s1, $0x2  }
0xbc: {  	s3 =	sand.u32 $0x4000, s31;
	s1 =	sadd.s32 s1, s30  }
0xbd: {  	s0 =	sor.u32 s3, s0;
	s1 =	sshll.u32 s1, $0x11  }
0xbe: {  	s0 =	sor.u32 s1, s0  }
0xbf: {  	s0 =	sadd.s32 $0x8F2B, s0  }
0xc0: {  	[sflag:s0] =	ssyncadd.remote.s32 $0x1  }
0xc1: {  	_ =	sfence.sel $0xFFFF  }
0xc2: {  	[dreg:$0x0] =	wrdreg $0xFFFFFFFF;
	(pc) =	sbr.abs _section_cstart, $3  }
0xc3: {  	[dreg:$0x1] =	wrdreg $0xFFFFFFFF  }
0xc4: {  	_ =	task.clear_ibuf [dreg:s8], $0x2FFFF;
	_ =	strace $0x9FFFFFFF  }
0xc5: {  	(tm) =	ssettm $0x7FFFFFFF  }
tec
execute0_lowered:
.L_overlay_start_1:
0x0: {  	(tag) =	ssettag $0x1  }
0x1: {  	s0 =	rddreg [dreg:$0x0]  }
0x2: {  	s2 =	rddreg [dreg:$0x1]  }
0x3: {  	s1 =	rddreg [dreg:$0x2]  }
0x4: {  	s3 =	rddreg [dreg:$0x3]  }
0x5: {  	s4 =	simm.s32 $0x0;
	s11 =	stileid.u32;
	s5 =	srdreg.scid  }
0x6: {  	s14 =	simm.s32 $0x20;
	s15 =	simm.s32 $0x80;
	s17 =	simm.s32 $0x6700  }
0x7: {  	s19 =	simm.s32 $0x7700;
	s21 =	simm.s32 $0x8700;
	s30 =	simm.s32 $0x2  }
0x8: {  	s31 =	simm.s32 $0x4;
	[smem:$0x7FF] =	sst s4;
	s6 =	smul.u32 $0x2800, s11  }
0x9: {  	s5 =	sand.u32 $0x1, s5;
	s7 =	sshll.u32 s11, $0x1;
	s23 =	sshll.u32 s11, $0x6  }
0xa: {  	s24 =	sshll.u32 s11, $0x5;
	_ =	strace $0x80000047;
	s7 =	sor.u32 s5, s7  }
0xb: {  	s9 =	ssub.s32 $0x2, s5;
	s8 =	sshrl.u32 s6, $0x3;
	s5 =	smul.u32 $0x6400, s7  }
0xc: {  	s22 =	sshrl.u32 s9, $0x1;
	s10 =	sadd.s32 s6, s3;
	s6 =	smul.u32 $0xC8000, s7  }
0xd: {  	s7 =	sshll.u32 s7, $0x2;
	s2 =	sadd.s32 s8, s2;
	s8 =	ssub.s32 s9, s22  }
0xe: {  	s9 =	sand.u32 $0x1C0, s24;
	s7 =	sand.u32 $0xC, s7;
	s29 =	sshrl.u32 s10, $0x3  }
0xf: {  	s10 =	simm.s32 $0x7;
	s24 =	simm.s32 $0x1;
	s2 =	sadd.s32 $0x800, s2  }
0x10: {  	s25 =	sshrl.u32 s6, $0x3;
	s0 =	sadd.s32 s0, s9;
	[dreg:$0x9] =	wrdreg s29  }
0x11: {  	v0 =	vlaneseq.u32;
	s28 =	smax.u32 s8, $0x1;
	s8 =	simm.s32 $0x0;
	[dreg:$0x5] =	wrdreg s2  }
0x12: {  	v1 =	vshrl.u32 v0, $0x2;
	v2 =	vand.u32 $0x3, v0;
	s11 =	sadd.s32 s1, s25;
	s2 =	sor.u32 $0x1C07, s23;
	[dreg:$0x8] =	wrdreg s28  }
0x13: {  	v0 =	vmul.u32 $0x80, v1;
	v1 =	vmul.u32 $0x20, v2;
	v2 =	vmul.u32 $0x500, v2;
	s9 =	sadd.s32 s7, s0;
	[dreg:$0x6] =	wrdreg s2;
	s26 =	sadd.s32 $0x18C00, s11  }
0x14: {  	s0 =	simm.s32 $0x3;
	[dreg:$0x7] =	wrdreg s26;
	s26 =	simm.s32 $0xA700  }
.LBB2_1:
0x15: {  	[dreg:$0xa] =	wrdreg s8  }
0x16: {  	s2 =	rddreg [dreg:$0x5]  }
0x17: {  	s7 =	rddreg [dreg:$0x6]  }
0x18: {  	s29 =	rddreg [dreg:$0x9]  }
0x19: {  	[spmem:s29], [sflag:s7] =	dma.local [hbm:s2], $0x500  }
0x1a: {  	_ =	swait.ge [sflag:s10], $0x500  }
0x1b: {  	s8 =	simm.s32 $0x0;
	[sflag:s10] =	ssyncset.done $0x0  }
0x1c: {  	s2 =	simm.s32 $0x200;
	s7 =	sadd.s32 $0x0, s9;
	[sflag:s10] =	ssyncadd.s32 $0xFFFFFB00  }
.LBB2_2:
0x1d: {  	[tilespmem:s8], [sflag:$0x7] =	stream.strided.gather [hbm4b:s7+s14], $0x80, s15, s14, $0x38;
	[tilespmem:$0xEF00] =	vst v63  }
0x1e: {  	s8 =	smov.u32 s2;
	p0 =	sne.s32 s2, $0x18E00  }
.Ltmp0:
0x1f: {  	s2 =	sadd.s32 $0x200, s2;
	(pc) =	sbr.rel @p0 .LBB2_2-.Ltmp0, $2  }
0x20: {  	_ =	sdelay $0x2  }
0x21: {  	s7 =	sadd.s32 s8, s9;
	s8 =	sshra.s32 s8, $0x2  }
0x22: {  	s2 =	simm.s32 $0x0  }
0x23: {  	v3 =	vmov s2  }
0x24: {  	v3 =	vshll.u32 v3, $0x7  }
0x25: {  	v3 =	vor.u32 v0, v3  }
0x26: {  	[tilespmem:s8], [sflag:$0x7] =	stream.strided.gather [hbm4b:s7+s14], $0x80, s15, s14, $0x38;
	v3 =	vor.u32 v1, v3;
	[tilespmem:$0xEF00] =	vst v63  }
0x27: {  	_ =	swait.ge [sflag:s10], $0x6400  }
0x28: {  	[sflag:s10] =	ssyncset.done $0x0  }
0x29: {  	[sflag:s10] =	ssyncadd.s32 $0xFFFF9C00  }
0x2a: {  	[bflag:$0x0] =	sbarrier.arrive $0xFFFF  }
0x2b: {  	v3 =	vld.idx.msk [tilespmem:v3+s4+$0x0], $0xffff;
	_ =	sdelay $0x2  }
0x2c: {  	s28 =	simm.s32 $0x4  }
0x2d: {  	v4 =	vmov s28  }
0x2e: {  	v4 =	vshll.u32 v4, $0x7;
	v3 =	vmax.f32 v3, $0.0e+00  }
0x2f: {  	v4 =	vor.u32 v0, v4;
	v3 =	vmin.f32 v3, $1.279000000e+03  }
0x30: {  	v4 =	vor.u32 v1, v4;
	v3 =	vtrunc.f32 v3  }
0x31: {  	v3 =	vcvt.f32.s32 v3;
	_ =	sdelay $0x1  }
0x32: {  	s2 =	simm.s32 $0x6400;
	v3 =	vadd.s32 v2, v3  }
0x33: {  	[tilespmem:s2+$0x0] =	vst v3  }
0x34: {  	v3 =	vld.idx.msk [tilespmem:v4+s4+$0x0], $0xffff;
	_ =	sdelay $0x2  }
0x35: {  	s29 =	simm.s32 $0x8  }
0x36: {  	s7 =	simm.s32 $0xC;
	v4 =	vmov s29  }
.LBB2_4:
0x37: {  	p0 =	sne.s32 s7, $0x3C;
	v4 =	vshll.u32 v4, $0x7;
	v3 =	vmax.f32 v3, $0.0e+00  }
0x38: {  	v4 =	vor.u32 v0, v4;
	v3 =	vmin.f32 v3, $1.279000000e+03  }
0x39: {  	v4 =	vor.u32 v1, v4;
	v3 =	vtrunc.f32 v3  }
0x3a: {  	v3 =	vcvt.f32.s32 v3;
	_ =	sdelay $0x1  }
0x3b: {  	s2 =	sadd.s32 $0x10, s2;
	v3 =	vadd.s32 v2, v3  }
0x3c: {  	[tilespmem:s2+$0x0] =	vst v3  }
0x3d: {  	v3 =	vld.idx.msk [tilespmem:v4+s4+$0x0], $0xffff  }
.Ltmp1:
0x3e: {  	(pc) =	sbr.rel @p0 .LBB2_4-.Ltmp1, $2  }
0x3f: {  	_ =	sdelay $0x2  }
0x40: {  	v4 =	vmov s7;
	s7 =	sadd.s32 $0x4, s7  }
0x41: {  	v4 =	vshll.u32 v4, $0x7;
	v3 =	vmax.f32 v3, $0.0e+00  }
0x42: {  	v4 =	vor.u32 v0, v4;
	v3 =	vmin.f32 v3, $1.279000000e+03  }
0x43: {  	v4 =	vor.u32 v1, v4;
	v3 =	vtrunc.f32 v3  }
0x44: {  	v3 =	vcvt.f32.s32 v3;
	_ =	sdelay $0x1  }
0x45: {  	s2 =	sadd.s32 $0x10, s2;
	v3 =	vadd.s32 v2, v3  }
0x46: {  	[tilespmem:s2+$0x0] =	vst v3  }
0x47: {  	v3 =	vld.idx.msk [tilespmem:v4+s4+$0x0], $0xffff;
	_ =	sdelay $0x4  }
0x48: {  	v3 =	vmax.f32 v3, $0.0e+00  }
0x49: {  	v3 =	vmin.f32 v3, $1.279000000e+03  }
0x4a: {  	v3 =	vtrunc.f32 v3  }
0x4b: {  	v3 =	vcvt.f32.s32 v3;
	_ =	sdelay $0x1  }
0x4c: {  	s10 =	simm.s32 $0x80;
	s28 =	simm.s32 $0x6400;
	s2 =	sadd.s32 $0x10, s2;
	v3 =	vadd.s32 v2, v3  }
0x4d: {  	s29 =	simm.s32 $0x6480;
	s11 =	simm.s32 $0x0;
	s12 =	simm.s32 $0x40;
	[tilespmem:s2+$0x0] =	vst v3  }
0x4e: {  	[tilespmem:s17], [sflag:$0x1] =	stream.indirect.gather [spmem:s3], $0x20, s28, s10, $0xb8;
	[tilespmem:$0xEF00] =	vst v63  }
0x4f: {  	s7 =	simm.s32 $0x30;
	s13 =	simm.s32 $0x0;
	s2 =	simm.s32 $0xC0  }
0x50: {  	[tilespmem:s19], [sflag:$0x1] =	stream.indirect.gather [spmem:s3], $0x20, s29, s10, $0xb8;
	[tilespmem:$0xEF00] =	vst v63  }
.LBB2_6:
0x51: {  	s8 =	smulhi.u32 $0x51EB851F, s12;
	_ =	sdelay $0x1  }
0x52: {  	s8 =	sshrl.u32 s8, $0x6  }
0x53: {  	s16 =	sadd.s32 $0x0, s11;
	s8 =	smul.u32 $0xC8, s8  }
0x54: {  	s20 =	sadd.s32 $0x40, s16  }
0x55: {  	s20 =	smulhi.u32 $0x51EB851F, s20;
	s8 =	ssub.s32 s16, s8  }
0x56: {  	s8 =	sadd.s32 $0x40, s8  }
0x57: {  	s25 =	sshrl.u32 s20, $0x6;
	v3 =	vmov s8  }
0x58: {  	v4 =	vmov s25;
	v3 =	vshll.u32 v3, $0x7  }
0x59: {  	v4 =	vand.u32 $0xFFFFFF, v4;
	v3 =	vor.u32 v0, v3  }
0x5a: {  	v3 =	vadd.s32 v3, v4  }
0x5b: {  	s18 =	sadd.s32 $0x4, s12;
	v3 =	vadd.s32 v1, v3  }
0x5c: {  	s22 =	smulhi.u32 $0x51EB851F, s18;
	_ =	sdelay $0x1  }
0x5d: {  	s16 =	sshrl.u32 s22, $0x6  }
0x5e: {  	s23 =	sadd.s32 $0x4, s11;
	s16 =	smul.u32 $0xC8, s16  }
0x5f: {  	s22 =	sadd.s32 $0x40, s23;
	v3 =	vld.idx.msk [tilespmem:v3+s4+$0x0], $0xffff  }
0x60: {  	s22 =	smulhi.u32 $0x51EB851F, s22;
	s16 =	ssub.s32 s23, s16  }
0x61: {  	s16 =	sadd.s32 $0x40, s16  }
0x62: {  	s25 =	sshrl.u32 s22, $0x6;
	v4 =	vmov s16  }
0x63: {  	v5 =	vmov s25;
	v4 =	vshll.u32 v4, $0x7  }
0x64: {  	v5 =	vand.u32 $0xFFFFFF, v5;
	v4 =	vor.u32 v0, v4;
	v3 =	vmax.f32 v3, $0.0e+00  }
0x65: {  	v4 =	vadd.s32 v4, v5;
	v3 =	vmin.f32 v3, $1.279000000e+03  }
0x66: {  	s18 =	sadd.s32 $0x4, s18;
	v4 =	vadd.s32 v1, v4;
	v3 =	vtrunc.f32 v3  }
0x67: {  	s8 =	smulhi.u32 $0x51EB851F, s18;
	v3 =	vcvt.f32.s32 v3;
	_ =	sdelay $0x1  }
0x68: {  	s22 =	simm.s32 $0x6500;
	s8 =	sshrl.u32 s8, $0x6;
	v3 =	vadd.s32 v2, v3  }
0x69: {  	s25 =	sadd.s32 $0x8, s11;
	s8 =	smul.u32 $0xC8, s8;
	[tilespmem:s22+$0x0] =	vst v3  }
0x6a: {  	s23 =	sadd.s32 $0x40, s25;
	v3 =	vld.idx.msk [tilespmem:v4+s4+$0x0], $0xffff  }
0x6b: {  	s23 =	smulhi.u32 $0x51EB851F, s23;
	s8 =	ssub.s32 s25, s8  }
0x6c: {  	s8 =	sadd.s32 $0x40, s8  }
0x6d: {  	s23 =	sshrl.u32 s23, $0x6;
	v4 =	vmov s8  }
0x6e: {  	v5 =	vmov s23;
	v4 =	vshll.u32 v4, $0x7  }
0x6f: {  	v5 =	vand.u32 $0xFFFFFF, v5;
	v4 =	vor.u32 v0, v4;
	v3 =	vmax.f32 v3, $0.0e+00  }
0x70: {  	v4 =	vadd.s32 v4, v5;
	v3 =	vmin.f32 v3, $1.279000000e+03  }
0x71: {  	s20 =	smul.u32 $0x3, s13;
	v5 =	vtrunc.f32 v3;
	v3 =	vadd.s32 v1, v4  }
0x72: {  	s28 =	simm.s32 $0x10;
	s25 =	sadd.s32 $0x4, s18;
	v4 =	vcvt.f32.s32 v5  }
0x73: {  	s29 =	smulhi.u32 $0x51EB851F, s25;
	s23 =	simm.s32 $0xC;
	s8 =	sadd.s32 $0x1, s20  }
.LBB2_7:
0x74: {  	p0 =	sne.s32 s28, $0x3C;
	v4 =	vadd.s32 v2, v4;
	s22 =	sadd.s32 $0x10, s22  }
0x75: {  	s16 =	sshrl.u32 s29, $0x6;
	[tilespmem:s22+$0x0] =	vst v4  }
0x76: {  	s29 =	sadd.s32 s23, s11;
	s23 =	smov.u32 s28;
	s16 =	smul.u32 $0xC8, s16;
	v3 =	vld.idx.msk [tilespmem:v3+s4+$0x0], $0xffff  }
0x77: {  	s18 =	sadd.s32 $0x40, s29  }
0x78: {  	s18 =	smulhi.u32 $0x51EB851F, s18;
	s16 =	ssub.s32 s29, s16  }
0x79: {  	s16 =	sadd.s32 $0x40, s16  }
0x7a: {  	s18 =	sshrl.u32 s18, $0x6;
	v4 =	vmov s16  }
0x7b: {  	v5 =	vmov s18;
	v4 =	vshll.u32 v4, $0x7  }
.Ltmp2:
0x7c: {  	v5 =	vand.u32 $0xFFFFFF, v5;
	v3 =	vmax.f32 v3, $0.0e+00;
	v4 =	vor.u32 v0, v4;
	(pc) =	sbr.rel @p0 .LBB2_7-.Ltmp2, $4  }
0x7d: {  	v4 =	vadd.s32 v4, v5;
	v5 =	vmin.f32 v3, $1.279000000e+03  }
0x7e: {  	v3 =	vadd.s32 v1, v4;
	v4 =	vtrunc.f32 v5  }
0x7f: {  	s25 =	sadd.s32 $0x4, s25;
	v4 =	vcvt.f32.s32 v4  }
0x80: {  	s28 =	sadd.s32 $0x4, s28;
	s29 =	smulhi.u32 $0x51EB851F, s25  }
0x81: {  	_ =	sdelay $0x1  }
0x82: {  	v4 =	vadd.s32 v2, v4;
	s16 =	sadd.s32 $0x10, s22;
	s18 =	sshrl.u32 s29, $0x6  }
0x83: {  	s25 =	sadd.s32 s23, s11;
	[tilespmem:s16+$0x0] =	vst v4;
	s18 =	smul.u32 $0xC8, s18  }
0x84: {  	s23 =	sadd.s32 $0x40, s25;
	v3 =	vld.idx.msk [tilespmem:v3+s4+$0x0], $0xffff  }
0x85: {  	s23 =	smulhi.u32 $0x51EB851F, s23;
	s18 =	ssub.s32 s25, s18  }
0x86: {  	s18 =	sadd.s32 $0x40, s18  }
0x87: {  	s25 =	sshrl.u32 s23, $0x6;
	v4 =	vmov s18  }
0x88: {  	v5 =	vmov s25;
	v4 =	vshll.u32 v4, $0x7  }
0x89: {  	v5 =	vand.u32 $0xFFFFFF, v5;
	v3 =	vmax.f32 v3, $0.0e+00;
	v4 =	vor.u32 v0, v4  }
0x8a: {  	v3 =	vmin.f32 v3, $1.279000000e+03;
	v4 =	vadd.s32 v4, v5  }
0x8b: {  	v3 =	vtrunc.f32 v3;
	v4 =	vadd.s32 v1, v4  }
0x8c: {  	v3 =	vcvt.f32.s32 v3;
	_ =	sdelay $0x1  }
0x8d: {  	s16 =	sadd.s32 $0x10, s16;
	v3 =	vadd.s32 v2, v3  }
0x8e: {  	[tilespmem:s16+$0x0] =	vst v3  }
0x8f: {  	v3 =	vld.idx.msk [tilespmem:v4+s4+$0x0], $0xffff;
	_ =	sdelay $0x4  }
0x90: {  	v3 =	vmax.f32 v3, $0.0e+00  }
0x91: {  	v3 =	vmin.f32 v3, $1.279000000e+03  }
0x92: {  	v3 =	vtrunc.f32 v3  }
0x93: {  	v3 =	vcvt.f32.s32 v3;
	_ =	sdelay $0x1  }
0x94: {  	p0 =	seq.s32 s13, $0x0;
	s16 =	sadd.s32 $0x10, s16;
	v3 =	vadd.s32 v2, v3  }
0x95: {  	[tilespmem:s16+$0x0] =	vst v3;
	s16 =	simm.s32 @!p0 $0x5  }
0x96: {  	s25 =	smulhi.u32 $0x51EB851F, s10;
	_ =	swait.ge @!p0 [sflag:s16], $0x2000  }
0x97: {  	s22 =	simm.s32 $0x6580;
	[sflag:s16] =	ssyncset.done @!p0 $0x0  }
0x98: {  	s23 =	simm.s32 $0x6500;
	[sflag:s16] =	ssyncadd.s32 @!p0 $0xFFFFE000;
	s16 =	sshrl.u32 s25, $0x6  }
0x99: {  	[tilespmem:s21], [sflag:$0x2] =	stream.indirect.gather [spmem:s3], $0x20, s23, s15, $0xb8;
	[tilespmem:$0xEF00] =	vst v63  }
0x9a: {  	s25 =	sadd.s32 $0x0, s11;
	s23 =	simm.s32 $0x9700;
	s16 =	smul.u32 $0xC8, s16  }
0x9b: {  	[tilespmem:s23], [sflag:$0x2] =	stream.indirect.gather [spmem:s3], $0x20, s22, s15, $0xb8;
	[tilespmem:$0xEF00] =	vst v63  }
0x9c: {  	s23 =	sadd.s32 $0x80, s25  }
0x9d: {  	s16 =	ssub.s32 s25, s16;
	s22 =	smulhi.u32 $0x51EB851F, s23  }
0x9e: {  	s16 =	sadd.s32 $0x80, s16  }
0x9f: {  	v3 =	vmov s16;
	s25 =	sshrl.u32 s22, $0x6  }
0xa0: {  	s22 =	smul.u32 $0x300, s13;
	v3 =	vshll.u32 v3, $0x7;
	v4 =	vmov s25  }
0xa1: {  	v3 =	vor.u32 v0, v3;
	v4 =	vand.u32 $0xFFFFFF, v4  }
0xa2: {  	s18 =	sadd.s32 $0x4, s10;
	_ =	swait.ge [sflag:s24], $0x2000;
	s16 =	sadd.s32 s5, s22;
	v3 =	vadd.s32 v3, v4  }
0xa3: {  	s23 =	simm.s32 $0x0;
	[sflag:s24] =	ssyncset.done $0x0;
	s16 =	sshll.u32 s16, $0x2;
	v3 =	vadd.s32 v1, v3  }
0xa4: {  	[sflag:s24] =	ssyncadd.s32 $0xFFFFE000;
	s25 =	smulhi.u32 $0x51EB851F, s18;
	s16 =	sadd.s32 s1, s16  }
0xa5: {  	[hbm4b:s16+s23] =	stream.linear.scatter [tilespmem:s17], [sflag:$0x4], $0x2000, $0x38;
	[tilespmem:$0xEF00] =	vst v63  }
0xa6: {  	s23 =	sshrl.u32 s25, $0x6  }
0xa7: {  	s22 =	sadd.s32 $0x4, s11;
	s16 =	smul.u32 $0xC8, s23  }
0xa8: {  	s25 =	sadd.s32 $0x80, s22;
	v3 =	vld.idx.msk [tilespmem:v3+s4+$0x0], $0xffff  }
0xa9: {  	s23 =	smulhi.u32 $0x51EB851F, s25;
	s16 =	ssub.s32 s22, s16  }
0xaa: {  	s16 =	sadd.s32 $0x80, s16  }
0xab: {  	s23 =	sshrl.u32 s23, $0x6;
	v4 =	vmov s16  }
0xac: {  	v5 =	vmov s23;
	v4 =	vshll.u32 v4, $0x7  }
0xad: {  	v5 =	vand.u32 $0xFFFFFF, v5;
	v4 =	vor.u32 v0, v4;
	v3 =	vmax.f32 v3, $0.0e+00  }
0xae: {  	v4 =	vadd.s32 v4, v5;
	v3 =	vmin.f32 v3, $1.279000000e+03  }
0xaf: {  	s16 =	sadd.s32 $0x4, s18;
	v4 =	vadd.s32 v1, v4;
	v3 =	vtrunc.f32 v3  }
0xb0: {  	s18 =	smulhi.u32 $0x51EB851F, s16;
	v3 =	vcvt.f32.s32 v3;
	_ =	sdelay $0x1  }
0xb1: {  	s22 =	simm.s32 $0x6600;
	s18 =	sshrl.u32 s18, $0x6;
	v3 =	vadd.s32 v2, v3  }
0xb2: {  	s23 =	sadd.s32 $0x8, s11;
	s18 =	smul.u32 $0xC8, s18;
	[tilespmem:s22+$0x0] =	vst v3  }
0xb3: {  	s25 =	sadd.s32 $0x80, s23;
	v3 =	vld.idx.msk [tilespmem:v4+s4+$0x0], $0xffff  }
0xb4: {  	s25 =	smulhi.u32 $0x51EB851F, s25;
	s18 =	ssub.s32 s23, s18  }
0xb5: {  	s18 =	sadd.s32 $0x80, s18  }
0xb6: {  	s25 =	sshrl.u32 s25, $0x6;
	v4 =	vmov s18  }
0xb7: {  	v5 =	vmov s25;
	v4 =	vshll.u32 v4, $0x7  }
0xb8: {  	v5 =	vand.u32 $0xFFFFFF, v5;
	v4 =	vor.u32 v0, v4;
	v3 =	vmax.f32 v3, $0.0e+00  }
0xb9: {  	v4 =	vadd.s32 v4, v5;
	v3 =	vmin.f32 v3, $1.279000000e+03  }
0xba: {  	v5 =	vtrunc.f32 v3;
	v3 =	vadd.s32 v1, v4  }
0xbb: {  	s20 =	sadd.s32 $0x2, s20;
	s25 =	sadd.s32 $0x4, s16;
	v4 =	vcvt.f32.s32 v5  }
0xbc: {  	s28 =	simm.s32 $0x10;
	s29 =	smulhi.u32 $0x51EB851F, s25;
	s23 =	simm.s32 $0xC  }
.LBB2_9:
0xbd: {  	p1 =	sne.s32 s28, $0x3C;
	v4 =	vadd.s32 v2, v4;
	s22 =	sadd.s32 $0x10, s22  }
0xbe: {  	s16 =	sshrl.u32 s29, $0x6;
	[tilespmem:s22+$0x0] =	vst v4  }
0xbf: {  	s18 =	sadd.s32 s23, s11;
	s23 =	smov.u32 s28;
	s16 =	smul.u32 $0xC8, s16;
	v3 =	vld.idx.msk [tilespmem:v3+s4+$0x0], $0xffff  }
0xc0: {  	s29 =	sadd.s32 $0x80, s18  }
0xc1: {  	s29 =	smulhi.u32 $0x51EB851F, s29;
	s16 =	ssub.s32 s18, s16  }
0xc2: {  	s16 =	sadd.s32 $0x80, s16  }
0xc3: {  	s18 =	sshrl.u32 s29, $0x6;
	v4 =	vmov s16  }
0xc4: {  	v5 =	vmov s18;
	v4 =	vshll.u32 v4, $0x7  }
.Ltmp3:
0xc5: {  	v5 =	vand.u32 $0xFFFFFF, v5;
	v3 =	vmax.f32 v3, $0.0e+00;
	v4 =	vor.u32 v0, v4;
	(pc) =	sbr.rel @p1 .LBB2_9-.Ltmp3, $4  }
0xc6: {  	v4 =	vadd.s32 v4, v5;
	v5 =	vmin.f32 v3, $1.279000000e+03  }
0xc7: {  	v3 =	vadd.s32 v1, v4;
	v4 =	vtrunc.f32 v5  }
0xc8: {  	s25 =	sadd.s32 $0x4, s25;
	v4 =	vcvt.f32.s32 v4  }
0xc9: {  	s28 =	sadd.s32 $0x4, s28;
	s29 =	smulhi.u32 $0x51EB851F, s25  }
0xca: {  	_ =	sdelay $0x1  }
0xcb: {  	v4 =	vadd.s32 v2, v4;
	s16 =	sadd.s32 $0x10, s22;
	s18 =	sshrl.u32 s29, $0x6  }
0xcc: {  	s25 =	sadd.s32 s23, s11;
	[tilespmem:s16+$0x0] =	vst v4;
	s18 =	smul.u32 $0xC8, s18  }
0xcd: {  	s23 =	sadd.s32 $0x80, s25;
	v3 =	vld.idx.msk [tilespmem:v3+s4+$0x0], $0xffff  }
0xce: {  	s23 =	smulhi.u32 $0x51EB851F, s23;
	s18 =	ssub.s32 s25, s18  }
0xcf: {  	s18 =	sadd.s32 $0x80, s18  }
0xd0: {  	s25 =	sshrl.u32 s23, $0x6;
	v4 =	vmov s18  }
0xd1: {  	v5 =	vmov s25;
	v4 =	vshll.u32 v4, $0x7  }
0xd2: {  	v5 =	vand.u32 $0xFFFFFF, v5;
	v3 =	vmax.f32 v3, $0.0e+00;
	v4 =	vor.u32 v0, v4  }
0xd3: {  	v3 =	vmin.f32 v3, $1.279000000e+03;
	v4 =	vadd.s32 v4, v5  }
0xd4: {  	v3 =	vtrunc.f32 v3;
	v4 =	vadd.s32 v1, v4  }
0xd5: {  	v3 =	vcvt.f32.s32 v3;
	_ =	sdelay $0x1  }
0xd6: {  	s16 =	sadd.s32 $0x10, s16;
	v3 =	vadd.s32 v2, v3  }
0xd7: {  	[tilespmem:s16+$0x0] =	vst v3  }
0xd8: {  	v3 =	vld.idx.msk [tilespmem:v4+s4+$0x0], $0xffff;
	_ =	sdelay $0x4  }
0xd9: {  	v3 =	vmax.f32 v3, $0.0e+00  }
0xda: {  	v3 =	vmin.f32 v3, $1.279000000e+03  }
0xdb: {  	v3 =	vtrunc.f32 v3  }
0xdc: {  	v3 =	vcvt.f32.s32 v3;
	_ =	sdelay $0x1  }
0xdd: {  	s16 =	sadd.s32 $0x10, s16;
	v3 =	vadd.s32 v2, v3  }
0xde: {  	[tilespmem:s16+$0x0] =	vst v3;
	s16 =	simm.s32 @!p0 $0x6  }
0xdf: {  	s23 =	smulhi.u32 $0x51EB851F, s2;
	_ =	swait.ge @!p0 [sflag:s16], $0x2000  }
0xe0: {  	[sflag:s16] =	ssyncset.done @!p0 $0x0  }
0xe1: {  	[sflag:s16] =	ssyncadd.s32 @!p0 $0xFFFFE000;
	s16 =	sshrl.u32 s23, $0x6  }
0xe2: {  	s16 =	smul.u32 $0xC8, s16  }
0xe3: {  	s22 =	smulhi.u32 $0x51EB851F, s7  }
0xe4: {  	s16 =	ssub.s32 s2, s16  }
0xe5: {  	s18 =	sshrl.u32 s22, $0x4;
	v3 =	vmov s16  }
0xe6: {  	s8 =	sshll.u32 s8, $0xD;
	s25 =	simm.s32 $0x6600;
	v4 =	vmov s18;
	v3 =	vshll.u32 v3, $0x7  }
0xe7: {  	v4 =	vand.u32 $0x3FFFFFF, v4;
	[tilespmem:s26], [sflag:$0x3] =	stream.indirect.gather [spmem:s3], $0x20, s25, s15, $0xb8;
	v3 =	vor.u32 v0, v3;
	[tilespmem:$0xEF00] =	vst v63  }
0xe8: {  	s8 =	sadd.s32 s6, s8;
	s23 =	simm.s32 $0x6680;
	s25 =	simm.s32 $0xB700;
	v3 =	vadd.s32 v3, v4  }
0xe9: {  	[tilespmem:s25], [sflag:$0x3] =	stream.indirect.gather [spmem:s3], $0x20, s23, s15, $0xb8;
	v3 =	vadd.s32 v1, v3;
	[tilespmem:$0xEF00] =	vst v63  }
0xea: {  	s8 =	sshrl.u32 s8, $0x3;
	_ =	swait.ge [sflag:s30], $0x2000  }
0xeb: {  	s8 =	sadd.s32 s1, s8;
	s16 =	sadd.s32 $0x4, s2;
	[sflag:s30] =	ssyncset.done $0x0  }
0xec: {  	s22 =	simm.s32 $0x0;
	s23 =	smulhi.u32 $0x51EB851F, s16;
	[sflag:s30] =	ssyncadd.s32 $0xFFFFE000  }
0xed: {  	[hbm4b:s8+s22] =	stream.linear.scatter [tilespmem:s21], [sflag:$0x5], $0x2000, $0x38;
	[tilespmem:$0xEF00] =	vst v63  }
0xee: {  	v3 =	vld.idx.msk [tilespmem:v3+s4+$0x0], $0xffff  }
0xef: {  	s8 =	sshrl.u32 s23, $0x6  }
0xf0: {  	s23 =	sadd.s32 $0x1, s7;
	s8 =	smul.u32 $0xC8, s8  }
0xf1: {  	s25 =	smulhi.u32 $0x51EB851F, s23  }
0xf2: {  	s8 =	ssub.s32 s16, s8  }
0xf3: {  	s18 =	sshrl.u32 s25, $0x4;
	v4 =	vmov s8;
	v3 =	vmax.f32 v3, $0.0e+00  }
0xf4: {  	v5 =	vmov s18;
	v4 =	vshll.u32 v4, $0x7;
	v3 =	vmin.f32 v3, $1.279000000e+03  }
0xf5: {  	v5 =	vand.u32 $0x3FFFFFF, v5;
	v4 =	vor.u32 v0, v4;
	v3 =	vtrunc.f32 v3  }
0xf6: {  	v6 =	vcvt.f32.s32 v3;
	v3 =	vadd.s32 v4, v5  }
0xf7: {  	v3 =	vadd.s32 v1, v3;
	_ =	sdelay $0x1  }
0xf8: {  	s28 =	simm.s32 $0xC0;
	s22 =	simm.s32 $0x40;
	s25 =	sadd.s32 $0x4, s16  }
0xf9: {  	s16 =	simm.s32 $0x0;
	s8 =	simm.s32 $0x80;
	s29 =	smulhi.u32 $0x51EB851F, s25;
	v4 =	vadd.s32 v2, v6  }
.LBB2_11:
0xfa: {  	p0 =	sne.s32 s28, $0x3C0;
	[tilespmem:s16+$0x6400] =	vst v4;
	s16 =	smov.u32 s22;
	s22 =	smov.u32 s8  }
0xfb: {  	s8 =	smov.u32 s28;
	s18 =	sshrl.u32 s29, $0x6;
	v3 =	vld.idx.msk [tilespmem:v3+s4+$0x0], $0xffff  }
0xfc: {  	s23 =	sadd.s32 $0x1, s23;
	s18 =	smul.u32 $0xC8, s18  }
0xfd: {  	s29 =	smulhi.u32 $0x51EB851F, s23  }
0xfe: {  	s18 =	ssub.s32 s25, s18  }
0xff: {  	s29 =	sshrl.u32 s29, $0x4;
	v4 =	vmov s18  }
0x100: {  	v5 =	vmov s29;
	v4 =	vshll.u32 v4, $0x7  }
0x101: {  	v5 =	vand.u32 $0x3FFFFFF, v5;
	v3 =	vmax.f32 v3, $0.0e+00;
	v4 =	vor.u32 v0, v4  }
.Ltmp4:
0x102: {  	v4 =	vadd.s32 v4, v5;
	v5 =	vmin.f32 v3, $1.279000000e+03;
	(pc) =	sbr.rel @p0 .LBB2_11-.Ltmp4, $4  }
0x103: {  	v3 =	vadd.s32 v1, v4;
	v4 =	vtrunc.f32 v5  }
0x104: {  	v4 =	vcvt.f32.s32 v4  }
0x105: {  	s25 =	sadd.s32 $0x4, s25  }
0x106: {  	s28 =	sadd.s32 $0x40, s28;
	s16 =	sshra.s32 s16, $0x2;
	s29 =	smulhi.u32 $0x51EB851F, s25;
	v4 =	vadd.s32 v2, v4  }
0x107: {  	_ =	sdelay $0x2  }
0x108: {  	[tilespmem:s16+$0x6400] =	vst v4;
	s18 =	sshrl.u32 s29, $0x6  }
0x109: {  	v3 =	vld.idx.msk [tilespmem:v3+s4+$0x0], $0xffff;
	s16 =	smul.u32 $0xC8, s18;
	s18 =	sadd.s32 $0x1, s23  }
0x10a: {  	s18 =	smulhi.u32 $0x51EB851F, s18  }
0x10b: {  	s16 =	ssub.s32 s25, s16  }
0x10c: {  	s18 =	sshrl.u32 s18, $0x4;
	v63 =	vmov s16  }
0x10d: {  	v4 =	vshll.u32 v63, $0x7;
	v5 =	vmov s18  }
0x10e: {  	v3 =	vmax.f32 v3, $0.0e+00;
	v4 =	vor.u32 v0, v4;
	v5 =	vand.u32 $0x3FFFFFF, v5  }
0x10f: {  	v3 =	vmin.f32 v3, $1.279000000e+03;
	v4 =	vadd.s32 v4, v5  }
0x110: {  	v3 =	vtrunc.f32 v3;
	v4 =	vadd.s32 v1, v4  }
0x111: {  	v3 =	vcvt.f32.s32 v3;
	_ =	sdelay $0x1  }
0x112: {  	s23 =	sshra.s32 s22, $0x2;
	v3 =	vadd.s32 v2, v3  }
0x113: {  	[tilespmem:s23+$0x6400] =	vst v3  }
0x114: {  	v3 =	vld.idx.msk [tilespmem:v4+s4+$0x0], $0xffff;
	_ =	sdelay $0x4  }
0x115: {  	v3 =	vmax.f32 v3, $0.0e+00  }
0x116: {  	v3 =	vmin.f32 v3, $1.279000000e+03  }
0x117: {  	v3 =	vtrunc.f32 v3  }
0x118: {  	v3 =	vcvt.f32.s32 v3;
	_ =	sdelay $0x1  }
0x119: {  	s8 =	sshra.s32 s8, $0x2;
	v3 =	vadd.s32 v2, v3  }
0x11a: {  	[tilespmem:s8+$0x6400] =	vst v3  }
0x11b: {  	_ =	swait.ge [sflag:s31], $0x2000  }
0x11c: {  	[sflag:s31] =	ssyncset.done $0x0  }
0x11d: {  	s13 =	sadd.s32 $0x1, s13;
	s25 =	simm.s32 $0x6400;
	[sflag:s31] =	ssyncadd.s32 $0xFFFFE000  }
0x11e: {  	[tilespmem:s17], [sflag:$0x1] =	stream.indirect.gather [spmem:s3], $0x20, s25, s15, $0xb8;
	[tilespmem:$0xEF00] =	vst v63  }
0x11f: {  	s28 =	simm.s32 $0x6480;
	s11 =	sadd.s32 $0xC0, s11;
	p0 =	sne.s32 s13, $0x21  }
0x120: {  	[tilespmem:s19], [sflag:$0x1] =	stream.indirect.gather [spmem:s3], $0x20, s28, s15, $0xb8;
	[tilespmem:$0xEF00] =	vst v63  }
.Ltmp5:
0x121: {  	s12 =	sadd.s32 $0xC0, s12;
	s29 =	sshll.u32 s20, $0xD;
	(pc) =	sbr.rel @p0 .LBB2_6-.Ltmp5, $4  }
0x122: {  	s10 =	sadd.s32 $0xC0, s10;
	s8 =	sadd.s32 s6, s29;
	_ =	swait.ge [sflag:s0], $0x2000  }
0x123: {  	s2 =	sadd.s32 $0xC0, s2;
	s8 =	sshrl.u32 s8, $0x3;
	[sflag:s0] =	ssyncset.done $0x0  }
0x124: {  	s7 =	sadd.s32 $0x30, s7;
	s8 =	sadd.s32 s1, s8;
	[sflag:s0] =	ssyncadd.s32 $0xFFFFE000  }
0x125: {  	[hbm4b:s8+s4] =	stream.linear.scatter [tilespmem:s26], [sflag:$0x6], $0x2000, $0x38;
	[tilespmem:$0xEF00] =	vst v63  }
0x126: {  	_ =	swait.ge [sflag:s24], $0x2000  }
0x127: {  	[sflag:s24] =	ssyncset.done $0x0  }
0x128: {  	s2 =	rddreg [dreg:$0x7];
	[sflag:s24] =	ssyncadd.s32 $0xFFFFE000  }
0x129: {  	[hbm4b:s2+s4] =	stream.linear.scatter [tilespmem:s17], [sflag:$0x4], $0x2000, $0x38;
	[tilespmem:$0xEF00] =	vst v63  }
0x12a: {  	_ =	swait.ge [sflag:s31], $0x2000  }
0x12b: {  	[sflag:s31] =	ssyncset.done $0x0  }
0x12c: {  	s28 =	simm.s32 $0x5;
	[sflag:s31] =	ssyncadd.s32 $0xFFFFE000  }
0x12d: {  	_ =	swait.ge [sflag:s28], $0x2000  }
0x12e: {  	[sflag:s28] =	ssyncset.done $0x0  }
0x12f: {  	s7 =	simm.s32 $0x6;
	[sflag:s28] =	ssyncadd.s32 $0xFFFFE000  }
0x130: {  	_ =	swait.ge [sflag:s7], $0x2000  }
0x131: {  	s8 =	rddreg [dreg:$0xa]  }
0x132: {  	s29 =	rddreg [dreg:$0x8];
	s8 =	sadd.s32 $0x1, s8  }
0x133: {  	p0 =	sne.s32 s8, s29  }
.Ltmp6:
0x134: {  	_ = 	snop;
	(pc) =	sbr.rel @p0 .LBB2_1-.Ltmp6, $3  }
0x135: {  	_ =	sdelay $0x1  }
0x136: {  	[sflag:s7] =	ssyncset.done $0x0  }
0x137: {  	s10 =	simm.s32 $0x7;
	[sflag:s7] =	ssyncadd.s32 $0xFFFFE000  }
0x138: {  	_ =	sfence.sel $0x180000  }
0x139: {  	[bflag:$0x0] =	sbarrier.arrive $0xFFFF  }
0x13a: {  	_ =	strace $0x90000047  }
0x13b: {  	s0 =	stileid.u32;
	[bflag:$0x2] =	sbarrier.arrive $0xFFFF  }
0x13c: {  	p0 =	sne.s32 s0, $0x0;
	s0 =	rddreg [dreg:$0x4]  }
0x13d: {  	s0 =	sadd.s32 @!p0 $0x100000, s0  }
0x13e: {  	[sflag:s0] =	ssyncadd.tile.s32 @!p0 $0x1;
	_ =	shalt  }
.Lfunc_end2:
_tile_overlayer_lowered:
.L_overlay_start_2:
0x13f: {  	(tag) =	ssettag $0x2  }
0x140: {  	s0 =	rddreg [dreg:$0x0];
	s2 =	stileid.u32  }
0x141: {  	s1 =	rddreg [dreg:$0x1];
	p0 =	sne.s32 s2, $0x0  }
0x142: {  	s3 =	rddreg [dreg:$0x2];
	[bflag:$0x3] =	sbarrier.arrive $0xFFFF;
	s2 =	simm.s32 @!p0 $0x1C07  }
0x143: {  	[timem:s3], [sflag:s2] =	dma.local @!p0 [hbm:s0], s1  }
0x144: {  	s0 =	simm.s32 @!p0 $0x7  }
0x145: {  	_ =	swait.ge @!p0 [sflag:s0], s1  }
0x146: {  	s1 =	ssub.s32 @!p0 $0x0, s1;
	[sflag:s0] =	ssyncset.done @!p0 $0x0  }
0x147: {  	[sflag:s0] =	ssyncadd.s32 @!p0 s1  }
0x148: {  	[bflag:$0x3] =	sbarrier.arrive $0xFFFF  }
0x149: {  	_ =	shalt  }

// kernel: sparse-core-data-format-call.cloned.1.call-start
scs
called_computation_lowered:
.L_overlay_start_0:
0x0: {  	s2 =	sld [smem:$0x3FD9]  }
0x1: {  	s3 =	sld [smem:$0x3FFE];
	_ =	sdelay $0x1  }
0x2: {  	s1 =	srdreg.scid  }
0x3: {  	s0 =	sand.u32 $0x1, s1  }
0x4: {  	s18 =	sshll.u32 s0, $0xA;
	s2 =	sadd.s32 s3, s2  }
0x5: {  	s2 =	sadd.s32 s2, s18  }
0x6: {  	[smem:$0x3FC6] =	sst s2  }
0x7: {  	_ = 	snop  }
0x8: {  	s2 =	sld [smem:$0x3FD0];
	(tm) =	ssettm $0x1  }
0x9: {  	s19 =	sld [smem:$0x3FFB];
	_ =	sdelay $0x3  }
0xa: {  	_ =	strace s19  }
0xb: {  	s3 =	sld [smem:$0x3FFC];
	_ =	sdelay $0x3  }
0xc: {  	_ =	strace s3  }
0xd: {  	s3 =	sld [smem:$0x3FFD];
	_ =	sdelay $0x3  }
0xe: {  	_ =	strace s3  }
0xf: {  	_ =	strace $0x8FFFFFFF  }
0x10: {  	s20 =	sld [smem:$0x3FDB];
	_ =	sdelay $0x1  }
0x11: {  	s4 =	simm.s32 $_scs_section_size  }
0x12: {  	s5 =	simm.s32 $_size__tile_overlayer_lowered;
	s6 =	simm.s32 $_tile_overlayer_lowered  }
0x13: {  	s23 =	simm.s32 $0x1BFF;
	s22 =	sshll.u32 s6, $0x1;
	s3 =	sadd.s32 s4, s20  }
0x14: {  	s7 =	simm.s32 $0x0;
	s21 =	sshll.u32 s5, $0x1;
	s5 =	sadd.s32 s22, s3  }
0x15: {  	[timem:s7], [sflag:s23] =	dma.local [hbm:s5], s21  }
0x16: {  	_ =	swait.ge [sflag:s23], s21  }
0x17: {  	s4 =	ssub.s32 $0x0, s21;
	[sflag:s23] =	ssyncset.done $0x0  }
0x18: {  	[sflag:s23] =	ssyncadd.s32 s4;
	_ =	sdelay $0x1  }
0x19: {  	s24 =	simm.s32 $0x1B8B  }
0x1a: {  	_ =	swait.ge [sflag:s24], $0x1  }
0x1b: {  	[sflag:s24] =	ssyncset.done $0x0  }
0x1c: {  	s26 =	simm.s32 $0x1B8E;
	s25 =	sld [smem:$0x3FFE];
	[sflag:s24] =	ssyncadd.s32 $0xFFFFFFFF  }
0x1d: {  	s27 =	simm.s32 $execute0_lowered;
	[smem:$0x3FD2] =	sst s26  }
0x1e: {  	s5 =	sshll.u32 s27, $0x1;
	_ =	strace $0x80000049;
	[dreg:$0x1] =	wrdreg $0xFFFFFFFF  }
0x1f: {  	s28 =	simm.s32 $_size_execute0_lowered;
	s3 =	sadd.s32 s3, s5;
	[dreg:$0x0] =	wrdreg $0x0  }
0x20: {  	s5 =	sshll.u32 s28, $0x1;
	[dreg:$0x2] =	wrdreg s3  }
0x21: {  	[dreg:$0x3] =	wrdreg s5  }
0x22: {  	[dreg:$0x4] =	wrdreg $0xC0  }
0x23: {  	_ =	task [dreg:s7], $0x5FFFF  }
0x24: {  	[dreg:$0x1] =	wrdreg $0xFFFFFFFF  }
0x25: {  	[dreg:$0x0] =	wrdreg $0x60  }
0x26: {  	[dreg:$0x2] =	wrdreg s25  }
0x27: {  	[dreg:$0x3] =	wrdreg s2  }
0x28: {  	[dreg:$0x4] =	wrdreg $0x9  }
0x29: {  	_ =	task.clear_ibuf [dreg:s7], $0x5FFFF;
	_ =	strace $0x90000049  }
0x2a: {  	s29 =	simm.s32 $0x9;
	_ =	strace $0x8000004B  }
0x2b: {  	_ =	swait.ge [sflag:s29], $0x1  }
0x2c: {  	[sflag:s29] =	ssyncadd.s32 $0xFFFFFFFF  }
0x2d: {  	_ =	strace $0x9000004B  }
0x2e: {  	_ =	sfence  }
0x2f: {  	s30 =	sld [smem:$0x0];
	_ =	sdelay $0x2  }
0x30: {  	s31 =	sshll.u32 s1, $0xD;
	s1 =	sshrl.u32 s1, $0x2  }
0x31: {  	s3 =	sand.u32 $0x4000, s31;
	s1 =	sadd.s32 s1, s30  }
0x32: {  	s0 =	sor.u32 s3, s0;
	s1 =	sshll.u32 s1, $0x11  }
0x33: {  	s0 =	sor.u32 s1, s0  }
0x34: {  	s0 =	sadd.s32 $0x8F2B, s0  }
0x35: {  	[sflag:s0] =	ssyncadd.remote.s32 $0x1  }
0x36: {  	_ =	sfence.sel $0xFFFF  }
0x37: {  	[dreg:$0x0] =	wrdreg $0xFFFFFFFF;
	(pc) =	sbr.abs _section_cstart, $3  }
0x38: {  	[dreg:$0x1] =	wrdreg $0xFFFFFFFF  }
0x39: {  	_ =	task.clear_ibuf [dreg:s7], $0x2FFFF;
	_ =	strace $0x9FFFFFFF  }
0x3a: {  	(tm) =	ssettm $0x7FFFFFFF  }
0x3b: {  	_ =	shalt  }
tec
execute0_lowered:
.L_overlay_start_1:
0x0: {  	(tag) =	ssettag $0x1  }
0x1: {  	s0 =	srdreg.scid  }
0x2: {  	s1 =	sshll.u32 s0, $0x4  }
0x3: {  	s4 =	rddreg [dreg:$0x0];
	s0 =	stileid.u32;
	s1 =	sand.u32 $0x10, s1  }
0x4: {  	s2 =	rddreg [dreg:$0x1];
	s7 =	simm.s32 $0x1;
	s1 =	sor.u32 s0, s1  }
0x5: {  	s8 =	simm.s32 $0x2;
	s11 =	simm.s32 $0x0;
	s3 =	sshll.u32 s1, $0x7  }
0x6: {  	s10 =	simm.s32 $0x0;
	s4 =	sadd.s32 $0x800, s4;
	s6 =	ssub.s32 $0xC8000, s3  }
.Ltmp0:
0x7: {  	s1 =	rddreg [dreg:$0x2];
	s5 =	sand.u32 $0xF80, s6;
	(pc) =	sbr.rel .LBB1_1-.Ltmp0, $4  }
0x8: {  	_ =	strace $0x8000004A;
	s9 =	smov.u32 s3;
	p0 =	sne.s32 s5, $0x0  }
0x9: {  	s6 =	sshrl.u32 s6, $0xC;
	s5 =	simm.s32 $0x1;
	s7 =	simm.s32 @!p0 $0x0  }
0xa: {  	[sflag:s5] =	ssyncpa.u1 $0x0;
	p0 =	por $0x0, $0x0;
	s6 =	sadd.s32 s7, s6  }
0xb: {  	[sflag:s8] =	ssyncpa.u1 $0x0;
	s8 =	simm.s32 $0x640000;
	s7 =	sadd.s32 $0x1, s6  }
.LBB1_4:
0xc: {  	s14 =	sshll.u32 s11, $0x3  }
0xd: {  	s30 =	sand.u32 $0x7F, s11;
	s15 =	sand.u32 $0xFFFFFC00, s14  }
0xe: {  	s11 =	sor.u32 s30, s15  }
0xf: {  	s15 =	smulhi.u32 $0x51EB851F, s11  }
0x10: {  	s14 =	smulhi.u32 $0x51EB851F, s14  }
0x11: {  	s15 =	sshrl.u32 s15, $0x12  }
0x12: {  	s14 =	sshrl.u32 s14, $0x12;
	s15 =	smul.u32 $0xC8000, s15  }
0x13: {  	s14 =	sand.u32 $0x1F, s14  }
0x14: {  	s14 =	smul.u32 $0x19000, s14;
	s11 =	ssub.s32 s11, s15  }
0x15: {  	s15 =	sand.u32 $0x7, s11  }
0x16: {  	s14 =	sadd.s32 s2, s14;
	s11 =	sshrl.u32 s11, $0x3;
	s15 =	sshll.u32 s15, $0x12  }
0x17: {  	[tilespmem:s13+$0x0 ss:$0x81] =	vst.msk $0xffff, v0;
	s11 =	sadd.s32 s11, s14;
	s31 =	sor.u32 $0x400, s15  }
0x18: {  	[hbm4b:s11+s31] =	stream.strided.scatter [tilespmem:s12], [sflag:$0x2], $0x1000, s8, s31, $0x20;
	[tilespmem:$0x4040] =	vst v63  }
.LBB1_5:
0x19: {  	s13 =	sadd.s32 $0x1000, s9  }
0x1a: {  	p2 =	sgt.s32 s13, $0xC7FFF  }
0x1b: {  	s13 =	smov.u32 @p2 s3;
	p2 =	sne.s32 s10, s7  }
.Ltmp1:
0x1c: {  	p1 =	slt.u32 s10, $0x2;
	(pc) =	sbr.rel @!p2 .LBB1_6-.Ltmp1, $4  }
0x1d: {  	s12 =	simm.s32 @!p1 $0x2  }
0x1e: {  	s14 =	sadd.s32 $0x1, s10;
	_ =	swait.ge @!p1 [sflag:s12], $0x1000  }
0x1f: {  	s11 =	smov.u32 s9;
	p0 =	por !p0, !p0;
	[sflag:s12] =	ssyncset.done @!p1 $0x0  }
0x20: {  	s10 =	smov.u32 s14;
	s9 =	smov.u32 s13;
	[sflag:s12] =	ssyncadd.s32 @!p1 $0xFFFFF000  }
.LBB1_1:
0x21: {  	p1 =	sge.u32 s10, s6  }
0x22: {  	s12 =	sand.u32 @!p1 $0x1FFFFFF, s9  }
0x23: {  	s13 =	smulhi.u32 @!p1 $0x147AE15, s12;
	_ =	sdelay $0x1  }
0x24: {  	s13 =	sshrl.u32 @!p1 s13, $0xC  }
0x25: {  	s13 =	smul.u32 @!p1 $0xC8000, s13;
	_ =	sdelay $0x1  }
0x26: {  	s31 =	sadd.s32 $0xFFFFFFFF, s10;
	s14 =	sxor.u32 @!p1 $0xFFFFFFFF, s10;
	s12 =	ssub.s32 @!p1 s12, s13  }
0x27: {  	s15 =	simm.s32 @!p1 $0x80;
	s14 =	sshll.u32 @!p1 s14, $0xC;
	s12 =	sshll.u32 @!p1 s12, $0x4  }
0x28: {  	s13 =	sand.u32 @!p1 $0x1000, s14;
	s14 =	simm.s32 @!p1 $0x20;
	s12 =	sadd.s32 @!p1 s4, s12  }
0x29: {  	[tilespmem:s13], [sflag:$0x1] =	stream.strided.gather @!p1 [hbm4b:s12+s14], $0x1000, s15, s14, $0x38;
	[tilespmem:$0x4040] =	vst v63  }
0x2a: {  	p1 =	sge.u32 s31, s6  }
.Ltmp2:
0x2b: {  	_ = 	snop;
	(pc) =	sbr.rel @p1 .LBB1_5-.Ltmp2, $1  }
0x2c: {  	_ =	sdelay $0x3  }
0x2d: {  	s12 =	simm.s32 $0x1  }
0x2e: {  	_ =	swait.ge [sflag:s5], $0x1000;
	s12 =	simm.s32 @!p0 $0x0  }
0x2f: {  	[sflag:s5] =	ssyncset.done $0x0;
	s13 =	sshll.u32 s12, $0xC  }
0x30: {  	[sflag:s5] =	ssyncadd.s32 $0xFFFFF000;
	s16 =	sor.u32 $0x10, s13  }
0x31: {  	s12 =	smul.u32 $0x4080, s12;
	v1 =	vld [tilespmem:s16+$0x0]  }
0x32: {  	s30 =	sand.u32 $0x1, s10;
	v0 =	vld [tilespmem:s16+$0xFFFFFFF0]  }
0x33: {  	s13 =	smul.u32 $0x4080, s30;
	s12 =	sshrl.u32 s12, $0x2  }
0x34: {  	s14 =	sor.u32 $0x2000, s12  }
0x35: {  	s31 =	sshrl.u32 s13, $0x2;
	s13 =	sadd.s32 $0x0, s14  }
0x36: {  	s15 =	simm.s32 $0x4;
	s16 =	sadd.s32 $0x20, s16;
	s12 =	sor.u32 $0x2000, s31;
	[tilespmem:s13+$0x810 ss:$0x81] =	vst.msk $0xffff, v1  }
.LBB1_3:
0x37: {  	v1 =	vld [tilespmem:s16+$0x0];
	p1 =	sne.s32 s15, $0x1FC;
	[tilespmem:s13+$0x0 ss:$0x81] =	vst.msk $0xffff, v0;
	s13 =	smov.u32 s15;
	s15 =	sadd.s32 $0x4, s15  }
.Ltmp3:
0x38: {  	v0 =	vld [tilespmem:s16+$0xFFFFFFF0];
	(pc) =	sbr.rel @p1 .LBB1_3-.Ltmp3, $4  }
0x39: {  	_ = 	snop  }
0x3a: {  	s13 =	sshra.s32 s13, $0x2  }
0x3b: {  	s13 =	sadd.s32 s13, s14  }
0x3c: {  	s16 =	sadd.s32 $0x20, s16;
	[tilespmem:s13+$0x810 ss:$0x81] =	vst.msk $0xffff, v1  }
.Ltmp4:
0x3d: {  	_ = 	snop;
	(pc) =	sbr.rel .LBB1_4-.Ltmp4, $1  }
0x3e: {  	_ =	sdelay $0x3  }
.LBB1_6:
0x3f: {  	_ =	sfence.sel $0x180000  }
0x40: {  	s2 =	simm.s32 $0x1;
	[bflag:$0x0] =	sbarrier.arrive $0xFFFF  }
0x41: {  	s31 =	simm.s32 $0x2;
	[sflag:s2] =	ssyncpa.u1 $0x1  }
0x42: {  	[sflag:s31] =	ssyncpa.u1 $0x1  }
0x43: {  	p0 =	sne.s32 s0, $0x0;
	_ =	strace $0x9000004A  }
0x44: {  	s0 =	sadd.s32 @!p0 $0x100000, s1;
	[bflag:$0x2] =	sbarrier.arrive $0xFFFF  }
0x45: {  	[sflag:s0] =	ssyncadd.tile.s32 @!p0 $0x1;
	_ =	shalt  }
.Lfunc_end1:
_tile_overlayer_lowered:
.L_overlay_start_2:
0x46: {  	(tag) =	ssettag $0x2  }
0x47: {  	s0 =	rddreg [dreg:$0x0];
	s2 =	stileid.u32  }
0x48: {  	s1 =	rddreg [dreg:$0x1];
	p0 =	sne.s32 s2, $0x0  }
0x49: {  	s3 =	rddreg [dreg:$0x2];
	[bflag:$0x3] =	sbarrier.arrive $0xFFFF;
	s2 =	simm.s32 @!p0 $0x1C01  }
0x4a: {  	[timem:s3], [sflag:s2] =	dma.local @!p0 [hbm:s0], s1  }
0x4b: {  	s0 =	simm.s32 @!p0 $0x1  }
0x4c: {  	_ =	swait.ge @!p0 [sflag:s0], s1  }
0x4d: {  	s1 =	ssub.s32 @!p0 $0x0, s1;
	[sflag:s0] =	ssyncset.done @!p0 $0x0  }
0x4e: {  	[sflag:s0] =	ssyncadd.s32 @!p0 s1  }
0x4f: {  	[bflag:$0x3] =	sbarrier.arrive $0xFFFF  }
0x50: {  	_ =	shalt  }

</sc_bundles>
